<compile_context>
chip_gen: v7x
topology: tpu7x:2x2x1
jax: 0.10.2.dev20260603
libtpu: 0.0.44.dev20260713+nightly
codegen_flags: <defaults>
</compile_context>

<pallas_src>
import functools

import jax
import jax.numpy as jnp
from jax import lax
from jax.experimental import pallas as pl
from jax.experimental.pallas import tpu as pltpu
from jax.experimental.pallas import tpu_sc as plsc

N = 50000
NPAD = 50176
NROWS = 392
M = 1250
MPAD = 1280
K = 20
CIN = 128
COUT = 128
PADV = 1.0e6
BIG = 2 ** 30


def _fps_body(px_ref, py_ref, pz_ref, pt_ref, idx_ref, sp_ref, dists_ref,
              iota_ref):
    flat = (lax.broadcasted_iota(jnp.int32, (NROWS, 128), 0) * 128
            + lax.broadcasted_iota(jnp.int32, (NROWS, 128), 1))
    iota_ref[...] = flat
    dists_ref[...] = jnp.where(flat < N, jnp.float32(1e10), jnp.float32(-1e30))
    idx_ref[...] = jnp.zeros((MPAD, 8), jnp.int32)
    sp_ref[...] = jnp.zeros((MPAD, 8), jnp.float32)
    prow0 = pt_ref[0:1, :]
    sp_ref[0:1, :] = prow0

    def body(i, prow):
        lx = prow[0:1, 0:1]
        ly = prow[0:1, 1:2]
        lz = prow[0:1, 2:3]
        d = ((px_ref[...] - lx) ** 2 + (py_ref[...] - ly) ** 2
             + (pz_ref[...] - lz) ** 2)
        nd = jnp.minimum(dists_ref[...], d)
        dists_ref[...] = nd
        m = jnp.max(nd)
        idx = jnp.min(jnp.where(nd == m, iota_ref[...], BIG))
        idx_ref[pl.ds(i, 1), :] = jnp.full((1, 8), idx, jnp.int32)
        prow_new = pt_ref[pl.ds(idx, 1), :]
        sp_ref[pl.ds(i, 1), :] = prow_new
        return prow_new

    lax.fori_loop(1, M, body, prow0)


def _run_fps(px, py, pz, pt):
    return pl.pallas_call(
        _fps_body,
        out_shape=[
            jax.ShapeDtypeStruct((MPAD, 8), jnp.int32),
            jax.ShapeDtypeStruct((MPAD, 8), jnp.float32),
        ],
        scratch_shapes=[
            pltpu.VMEM((NROWS, 128), jnp.float32),
            pltpu.VMEM((NROWS, 128), jnp.int32),
        ],
    )(px, py, pz, pt)


NGRP = NPAD // 128
CB = 32
INFF = float("inf")


def _knn_body(sp_ref, px_ref, py_ref, pz_ref, out_ref):
    sx = sp_ref[:, :, 0:1]
    sy = sp_ref[:, :, 1:2]
    sz = sp_ref[:, :, 2:3]

    def dist():
        return ((sx - px_ref[...]) ** 2 + (sy - py_ref[...]) ** 2
                + (sz - pz_ref[...]) ** 2)

    jio = lax.broadcasted_iota(jnp.int32, (CB, 128, NGRP), 2)

    def argmin3(c, m):
        return jnp.min(jnp.where(c == m[:, :, None], jio, BIG), axis=2)

    d2 = dist()
    m1 = jnp.min(d2, axis=2)
    a1 = argmin3(d2, m1)
    c2 = jnp.where(jio == a1[:, :, None], INFF, d2)
    m2 = jnp.min(c2, axis=2)
    a2 = argmin3(c2, m2)
    c3 = jnp.where(jio == a2[:, :, None], INFF, c2)
    m3 = jnp.min(c3, axis=2)
    a3 = argmin3(c3, m3)

    liota = lax.broadcasted_iota(jnp.int32, (CB, 128), 1)

    def ext(k, st):
        idxs, m1, a1, m2, a2, m3, a3, thv, thj = st
        mrow = jnp.min(m1, axis=1, keepdims=True)
        lane = jnp.min(jnp.where(m1 == mrow, liota, BIG), axis=1,
                       keepdims=True)
        sel = liota == lane
        jsel = jnp.min(jnp.where(sel, a1, BIG), axis=1, keepdims=True)
        idxs = jnp.where(liota == k, lane * NGRP + jsel, idxs)
        thv = jnp.where(sel, mrow, thv)
        thj = jnp.where(sel, jsel, thj)
        m1 = jnp.where(sel, m2, m1)
        a1 = jnp.where(sel, a2, a1)
        m2 = jnp.where(sel, m3, m2)
        a2 = jnp.where(sel, a3, a2)
        m3 = jnp.where(sel, INFF, m3)
        a3 = jnp.where(sel, BIG, a3)
        need = sel & (m1 == INFF)

        def refill(op):
            q1, b1, q2, b2, q3, b3 = op
            dv = dist()
            tv = jnp.where(need, thv, INFF)
            tj = jnp.where(need, thj, BIG)
            e0 = ((dv > tv[:, :, None])
                  | ((dv == tv[:, :, None]) & (jio > tj[:, :, None])))
            r1 = jnp.where(e0, dv, INFF)
            h1 = jnp.min(r1, axis=2)
            f1 = argmin3(r1, h1)
            r2 = jnp.where(jio == f1[:, :, None], INFF, r1)
            h2 = jnp.min(r2, axis=2)
            f2 = argmin3(r2, h2)
            r3 = jnp.where(jio == f2[:, :, None], INFF, r2)
            h3 = jnp.min(r3, axis=2)
            f3 = argmin3(r3, h3)
            return (jnp.where(need, h1, q1), jnp.where(need, f1, b1),
                    jnp.where(need, h2, q2), jnp.where(need, f2, b2),
                    jnp.where(need, h3, q3), jnp.where(need, f3, b3))

        m1, a1, m2, a2, m3, a3 = lax.cond(
            jnp.any(need), refill, lambda op: op, (m1, a1, m2, a2, m3, a3))
        return (idxs, m1, a1, m2, a2, m3, a3, thv, thj)

    st0 = (jnp.zeros((CB, 128), jnp.int32), m1, a1, m2, a2, m3, a3,
           jnp.zeros((CB, 128), jnp.float32), jnp.zeros((CB, 128), jnp.int32))
    out_ref[...] = lax.fori_loop(0, K, ext, st0)[0]


def _run_knn(subpos3, px3, py3, pz3):
    nblk = MPAD // CB
    return pl.pallas_call(
        _knn_body,
        grid=(nblk,),
        in_specs=[
            pl.BlockSpec((CB, 1, 8), lambda i: (i, 0, 0)),
            pl.BlockSpec((1, 128, NGRP), lambda i: (0, 0, 0)),
            pl.BlockSpec((1, 128, NGRP), lambda i: (0, 0, 0)),
            pl.BlockSpec((1, 128, NGRP), lambda i: (0, 0, 0)),
        ],
        out_specs=pl.BlockSpec((CB, 128), lambda i: (i, 0)),
        out_shape=jax.ShapeDtypeStruct((MPAD, 128), jnp.int32),
    )(subpos3, px3, py3, pz3)


def _mm_body(x_ref, w_ref, b_out_ref, c1_out_ref):
    xb = x_ref[...]
    w1 = w_ref[:, 0:CIN]
    w2 = w_ref[:, CIN:2 * CIN]
    dn = (((1,), (1,)), ((), ()))
    b_out_ref[...] = lax.dot_general(xb, w2, dn,
                                     preferred_element_type=jnp.float32)
    c1_out_ref[...] = lax.dot_general(xb, w1 - w2, dn,
                                      preferred_element_type=jnp.float32)


def _run_mm(xfp, w):
    nblk = NPAD // 128
    return pl.pallas_call(
        _mm_body,
        grid=(nblk,),
        in_specs=[
            pl.BlockSpec((128, CIN), lambda i: (i, 0)),
            pl.BlockSpec((COUT, 2 * CIN), lambda i: (0, 0)),
        ],
        out_specs=[
            pl.BlockSpec((128, COUT), lambda i: (i, 0)),
            pl.BlockSpec((128, COUT), lambda i: (i, 0)),
        ],
        out_shape=[
            jax.ShapeDtypeStruct((NPAD, COUT), jnp.float32),
            jax.ShapeDtypeStruct((NPAD, COUT), jnp.float32),
        ],
    )(xfp, w)


NEDGE = MPAD * K


def _run_sc_gather(bmat, c1mat, nn_flat, fps_flat):
    info = plsc.get_sparse_core_info()
    nc, ns = info.num_cores, info.num_subcores
    nw = nc * ns
    e_per_w = NEDGE // nw
    m_per_w = MPAD // nw
    mesh = plsc.VectorSubcoreMesh(core_axis_name="c", subcore_axis_name="s")

    @functools.partial(
        pl.kernel,
        mesh=mesh,
        out_type=[
            jax.ShapeDtypeStruct((NEDGE, COUT), jnp.float32),
            jax.ShapeDtypeStruct((MPAD, COUT), jnp.float32),
        ],
        scratch_types=[
            pltpu.VMEM((e_per_w,), jnp.int32),
            pltpu.VMEM((e_per_w, COUT), jnp.float32),
            pltpu.VMEM((m_per_w,), jnp.int32),
            pltpu.VMEM((m_per_w, COUT), jnp.float32),
            pltpu.SemaphoreType.DMA,
        ],
    )
    def k(b_hbm, c1_hbm, nn_hbm, fps_hbm, out1_hbm, out2_hbm,
          idx1_v, rows1_v, idx2_v, rows2_v, sem):
        wid = lax.axis_index("s") * nc + lax.axis_index("c")
        base1 = wid * e_per_w
        pltpu.sync_copy(nn_hbm.at[pl.ds(base1, e_per_w)], idx1_v)
        pltpu.async_copy(b_hbm.at[idx1_v], rows1_v, sem).wait()
        pltpu.sync_copy(rows1_v, out1_hbm.at[pl.ds(base1, e_per_w)])
        base2 = wid * m_per_w
        pltpu.sync_copy(fps_hbm.at[pl.ds(base2, m_per_w)], idx2_v)
        pltpu.async_copy(c1_hbm.at[idx2_v], rows2_v, sem).wait()
        pltpu.sync_copy(rows2_v, out2_hbm.at[pl.ds(base2, m_per_w)])

    return k(bmat, c1mat, nn_flat, fps_flat)


MBLK = 128
NEBLK = MPAD // MBLK


def _edge_body(xj_ref, c1_ref, b_ref, gmax_ref, gmin_ref, s_ref, sq_ref,
               acc_s, acc_q):
    pid = pl.program_id(0)

    @pl.when(pid == 0)
    def _():
        acc_s[...] = jnp.zeros((8, 128), jnp.float32)
        acc_q[...] = jnp.zeros((8, 128), jnp.float32)

    bvec = b_ref[...]

    def body(r, _):
        h = jnp.maximum(
            xj_ref[pl.ds(r * K, K), :] + c1_ref[pl.ds(r, 1), :] + bvec, 0.0)
        gmax_ref[pl.ds(r, 1), :] = jnp.max(h, axis=0, keepdims=True)
        gmin_ref[pl.ds(r, 1), :] = jnp.min(h, axis=0, keepdims=True)
        valid = (pid * MBLK + r) < M
        s1 = jnp.sum(h, axis=0, keepdims=True)
        q1 = jnp.sum(h * h, axis=0, keepdims=True)
        zero = jnp.zeros((1, 128), jnp.float32)
        acc_s[0:1, :] += jnp.where(valid, s1, zero)
        acc_q[0:1, :] += jnp.where(valid, q1, zero)
        return 0

    lax.fori_loop(0, MBLK, body, 0)

    @pl.when(pid == NEBLK - 1)
    def _():
        s_ref[...] = acc_s[...]
        sq_ref[...] = acc_q[...]


def _run_edge(xjb, subc1, brow):
    return pl.pallas_call(
        _edge_body,
        grid=(NEBLK,),
        in_specs=[
            pl.BlockSpec((MBLK * K, COUT), lambda i: (i, 0)),
            pl.BlockSpec((MBLK, COUT), lambda i: (i, 0)),
            pl.BlockSpec((1, COUT), lambda i: (0, 0)),
        ],
        out_specs=[
            pl.BlockSpec((MBLK, COUT), lambda i: (i, 0)),
            pl.BlockSpec((MBLK, COUT), lambda i: (i, 0)),
            pl.BlockSpec((8, COUT), lambda i: (0, 0)),
            pl.BlockSpec((8, COUT), lambda i: (0, 0)),
        ],
        out_shape=[
            jax.ShapeDtypeStruct((MPAD, COUT), jnp.float32),
            jax.ShapeDtypeStruct((MPAD, COUT), jnp.float32),
            jax.ShapeDtypeStruct((8, COUT), jnp.float32),
            jax.ShapeDtypeStruct((8, COUT), jnp.float32),
        ],
        scratch_shapes=[
            pltpu.VMEM((8, 128), jnp.float32),
            pltpu.VMEM((8, 128), jnp.float32),
        ],
    )(xjb, subc1, brow)


def _norm_body(gmax_ref, gmin_ref, s_ref, sq_ref, gamma_ref, beta_ref,
               out_ref):
    cnt = jnp.float32(M * K)
    mean = s_ref[0:1, :] / cnt
    var = sq_ref[0:1, :] / cnt - mean * mean
    sd = jnp.sqrt(var + jnp.float32(1e-5))
    gamma = gamma_ref[...]
    beta = beta_ref[...]
    g = jnp.where(gamma >= 0, gmax_ref[...], gmin_ref[...])
    out_ref[...] = (g - mean) / sd * gamma + beta


def _run_norm(gmax, gmin, s, sq, gamma, beta):
    return pl.pallas_call(
        _norm_body,
        out_shape=jax.ShapeDtypeStruct((MPAD, COUT), jnp.float32),
    )(gmax, gmin, s, sq, gamma, beta)


def kernel(x, pos, W, b, gamma, beta):
    p = pos[0, :, :, 0]
    xf = x[0, :, :, 0].T

    pad = NPAD - N
    pxr = jnp.pad(p[0:1], ((0, 0), (0, pad)), constant_values=PADV)
    pyr = jnp.pad(p[1:2], ((0, 0), (0, pad)), constant_values=PADV)
    pzr = jnp.pad(p[2:3], ((0, 0), (0, pad)), constant_values=PADV)
    px = pxr.reshape(NROWS, 128)
    py = pyr.reshape(NROWS, 128)
    pz = pzr.reshape(NROWS, 128)
    pt = jnp.pad(p.T, ((0, pad), (0, 5)), constant_values=0.0)
    pt = jnp.where(
        (jnp.arange(NPAD)[:, None] < N) | (jnp.arange(8)[None, :] >= 3),
        pt, PADV)

    fpsidx, subpos = _run_fps(px, py, pz, pt)
    nnidx = _run_knn(subpos.reshape(MPAD, 1, 8), pxr.reshape(1, 128, NGRP),
                     pyr.reshape(1, 128, NGRP), pzr.reshape(1, 128, NGRP))

    xfp = jnp.pad(xf, ((0, pad), (0, 0)))
    bmat, c1mat = _run_mm(xfp, W)

    nn_flat = nnidx[:, :K].reshape(-1)
    fps_flat = fpsidx[:, 0]
    xjb, subc1 = _run_sc_gather(bmat, c1mat, nn_flat, fps_flat)

    gmax, gmin, s, sq = _run_edge(xjb, subc1, b.reshape(1, COUT))
    out = _run_norm(gmax, gmin, s, sq, gamma.reshape(1, COUT),
                    beta.reshape(1, COUT))
    return out[:M].T[None, :, :, None]

# --- scband reference (transcript-rebuilt; emitter-appended) ---
"""Pipeline reference for scband-graph-encoder-block-76716705841228 (READ-ONLY COPY).

The authoritative reference and input builder live on the scoring server;
editing this copy changes nothing except your own understanding.
"""

import jax, jax.numpy as jnp
import numpy as np

IN_CH = 128
OUT_CH = 128
NUM_POINTS = 1250
K = 20
N = 50000


def fps_indices(pts, m):
    # furthest point sampling, starting from index 0 (pointnet2 convention)
    Npts = pts.shape[0]

    def body(i, state):
        idxs, dists = state
        last = idxs[i - 1]
        d = jnp.sum((pts - pts[last]) ** 2, axis=-1)
        dists = jnp.minimum(dists, d)
        idxs = idxs.at[i].set(jnp.argmax(dists).astype(jnp.int32))
        return (idxs, dists)

    idxs = jnp.zeros((m,), dtype=jnp.int32)
    dists = jnp.full((Npts,), 1e10, dtype=pts.dtype)
    idxs, _ = jax.lax.fori_loop(1, m, body, (idxs, dists))
    return idxs


def setup_inputs(seed: int = 0) -> dict:
    key = jax.random.key(seed)
    k1, k2, k3 = jax.random.split(key, 3)
    x = jax.random.normal(k1, (1, IN_CH, N, 1), dtype=jnp.float32)
    pos = jax.random.normal(k2, (1, 3, N, 1), dtype=jnp.float32)
    # BasicConv([2*in, out]) -> Conv2d(2*in, out, 1, bias=True), kaiming-normal weights
    W = jax.random.normal(k3, (OUT_CH, 2 * IN_CH), dtype=jnp.float32) * np.sqrt(2.0 / (2 * IN_CH))
    b = jnp.zeros((OUT_CH,), dtype=jnp.float32)
    # BatchNorm2d(out) affine params, init weight=1 bias=0
    gamma = jnp.ones((OUT_CH,), dtype=jnp.float32)
    beta = jnp.zeros((OUT_CH,), dtype=jnp.float32)
    return {"x": x, "pos": pos, "W": W, "b": b, "gamma": gamma, "beta": beta}


def reference(x, pos, W, b, gamma, beta):
    # x: [1, C, N, 1], pos: [1, 3, N, 1]
    p = pos[0, :, :, 0].T   # [N, 3]
    xf = x[0, :, :, 0].T    # [N, C]

    # GraphDownSampling: FPS to NUM_POINTS keypoints (indices are discrete)
    fps_idx = fps_indices(jax.lax.stop_gradient(p), NUM_POINTS)  # [m] int32
    sub_pos = p[fps_idx]    # [m, 3]   gather
    sub_x = xf[fps_idx]     # [m, C]   gather

    # edge_index = knn(subgraph.pos, graph.pos, k): for each subgraph center,
    # the K nearest points in the full graph
    d2 = jnp.sum((sub_pos[:, None, :] - p[None, :, :]) ** 2, axis=-1)  # [m, N]
    _, nn_idx = jax.lax.top_k(-d2, K)  # [m, K] int32 indices into graph nodes

    # x_i = batched_index_select(subgraph.x, edge_index[1]) -> center feats
    # x_j = batched_index_select(graph.x, edge_index[0])    -> neighbor feats
    x_i = jnp.broadcast_to(sub_x[:, None, :], (NUM_POINTS, K, IN_CH))
    x_j = jnp.take(xf, nn_idx, axis=0)  # [m, K, C] gather

    feat = jnp.concatenate([x_i, x_j - x_i], axis=-1)  # [m, K, 2C]
    # BasicConv: Conv2d 1x1 -> ReLU -> BatchNorm2d
    h = feat @ W.T + b      # [m, K, Cout]
    h = jax.nn.relu(h)
    mean = jnp.mean(h, axis=(0, 1), keepdims=True)
    var = jnp.var(h, axis=(0, 1), keepdims=True)
    h = (h - mean) / jnp.sqrt(var + 1e-5) * gamma + beta

    # max over neighbor dim, keepdim -> subgraph.x
    out = jnp.max(h, axis=1)              # [m, Cout]
    return out.T[None, :, :, None]        # [1, Cout, m, 1]

if __name__ == "__main__":
    import jax
    _d = setup_inputs()
    print(jax.jit(kernel)(*tuple(_d.values())))

</pallas_src>

<mosaic_0001>
#map = affine_map<(d0, d1) -> (0, 0)>
#map1 = affine_map<(d0, d1) -> (0)>
module attributes {stable_mosaic.version = 14 : i64} {
  func.func @k(%arg0: i32, %arg1: i32, %arg2: memref<50176x128xf32, #tpu.memory_space<hbm>>, %arg3: memref<50176x128xf32, #tpu.memory_space<hbm>>, %arg4: memref<25600xi32, #tpu.memory_space<hbm>>, %arg5: memref<1280xi32, #tpu.memory_space<hbm>>, %arg6: memref<25600x128xf32, #tpu.memory_space<hbm>>, %arg7: memref<1280x128xf32, #tpu.memory_space<hbm>>, %arg8: memref<800xi32, #tpu.memory_space<vmem>>, %arg9: memref<800x128xf32, #tpu.memory_space<vmem>>, %arg10: memref<40xi32, #tpu.memory_space<vmem>>, %arg11: memref<40x128xf32, #tpu.memory_space<vmem>>, %arg12: memref<!tpu.dma_semaphore, #tpu.memory_space<semaphore_mem>>) attributes {dimension_semantics = [#tpu.dimension_semantics<core_parallel>, #tpu.dimension_semantics<subcore_parallel>], iteration_bounds = array<i64: 2, 16>, scalar_prefetch = 0 : i64, scratch_operands = 5 : i64, tpu.core_type = #tpu.core_type<sc_vector_subcore>, window_params = [{transform_indices = #map}, {transform_indices = #map}, {transform_indices = #map1}, {transform_indices = #map1}, {transform_indices = #map}, {transform_indices = #map}]} {
    %mul3A = arith.constant 2 : i32
    %mul3A_0 = arith.muli %arg1, %mul3A : i32
    %add3A = arith.addi %mul3A_0, %arg0 : i32
    %mul3A_1 = arith.constant 800 : i32
    %mul3A_2 = arith.muli %add3A, %mul3A_1 : i32
    "tpu.region"() ({
      %run_scoped3A = tpu.sem_alloc : memref<!tpu.dma_semaphore, #tpu.memory_space<semaphore_mem>>
      %dma_start3A_15 = tpu.memref_slice %arg4[%mul3A_2] : memref<25600xi32, #tpu.memory_space<hbm>> -> memref<800xi32, #tpu.memory_space<hbm>>
      %dma_start3A_16 = tpu.memref_slice %arg4[%mul3A_2] : memref<25600xi32, #tpu.memory_space<hbm>> -> memref<800xi32, #tpu.memory_space<hbm>>
      tpu.enqueue_dma source(%dma_start3A_16 : memref<800xi32, #tpu.memory_space<hbm>>) target(%arg8 : memref<800xi32, #tpu.memory_space<vmem>>) target_semaphore(%run_scoped3A : memref<!tpu.dma_semaphore, #tpu.memory_space<semaphore_mem>>)
      %dma_wait3A_17 = tpu.memref_slice %arg4[%mul3A_2] : memref<25600xi32, #tpu.memory_space<hbm>> -> memref<800xi32, #tpu.memory_space<hbm>>
      %dma_wait3A_18 = tpu.memref_slice %arg4[%mul3A_2] : memref<25600xi32, #tpu.memory_space<hbm>> -> memref<800xi32, #tpu.memory_space<hbm>>
      tpu.wait_dma2 semaphore(%run_scoped3A : memref<!tpu.dma_semaphore, #tpu.memory_space<semaphore_mem>>) src(%dma_wait3A_18 : memref<800xi32, #tpu.memory_space<hbm>>) dst(%arg8 : memref<800xi32, #tpu.memory_space<vmem>>)
      tpu.yield
    }) : () -> ()
    %dma_start3A = arith.constant 0 : i32
    %dma_start3A_3 = arith.constant 0 : i32
    %dma_start3A_4 = tpu.memref_slice %arg2[%dma_start3A, %dma_start3A_3] : memref<50176x128xf32, #tpu.memory_space<hbm>> -> memref<50176x128xf32, #tpu.memory_space<hbm>>
    tpu.enqueue_indirect_dma source(%dma_start3A_4 : memref<50176x128xf32, #tpu.memory_space<hbm>>) target(%arg9 : memref<800x128xf32, #tpu.memory_space<vmem>>) offsets(%arg8 : memref<800xi32, #tpu.memory_space<vmem>>) semaphore(%arg12 : memref<!tpu.dma_semaphore, #tpu.memory_space<semaphore_mem>>)
    %dma_wait3A = arith.constant 0 : i32
    %dma_wait3A_5 = arith.constant 0 : i32
    %dma_wait3A_6 = tpu.memref_slice %arg2[%dma_wait3A, %dma_wait3A_5] : memref<50176x128xf32, #tpu.memory_space<hbm>> -> memref<50176x128xf32, #tpu.memory_space<hbm>>
    tpu.wait_indirect_dma semaphore(%arg12 : memref<!tpu.dma_semaphore, #tpu.memory_space<semaphore_mem>>) src(%dma_wait3A_6 : memref<50176x128xf32, #tpu.memory_space<hbm>>) dst(%arg9 : memref<800x128xf32, #tpu.memory_space<vmem>>)
    "tpu.region"() ({
      %run_scoped3A = tpu.sem_alloc : memref<!tpu.dma_semaphore, #tpu.memory_space<semaphore_mem>>
      %dma_start3A_15 = arith.constant 0 : i32
      %dma_start3A_16 = tpu.memref_slice %arg6[%mul3A_2, %dma_start3A_15] : memref<25600x128xf32, #tpu.memory_space<hbm>> -> memref<800x128xf32, #tpu.memory_space<hbm>>
      %dma_start3A_17 = arith.constant 0 : i32
      %dma_start3A_18 = tpu.memref_slice %arg6[%mul3A_2, %dma_start3A_17] : memref<25600x128xf32, #tpu.memory_space<hbm>> -> memref<800x128xf32, #tpu.memory_space<hbm>>
      tpu.enqueue_dma source(%arg9 : memref<800x128xf32, #tpu.memory_space<vmem>>) target(%dma_start3A_18 : memref<800x128xf32, #tpu.memory_space<hbm>>) target_semaphore(%run_scoped3A : memref<!tpu.dma_semaphore, #tpu.memory_space<semaphore_mem>>)
      %dma_wait3A_19 = arith.constant 0 : i32
      %dma_wait3A_20 = tpu.memref_slice %arg6[%mul3A_2, %dma_wait3A_19] : memref<25600x128xf32, #tpu.memory_space<hbm>> -> memref<800x128xf32, #tpu.memory_space<hbm>>
      %dma_wait3A_21 = arith.constant 0 : i32
      %dma_wait3A_22 = tpu.memref_slice %arg6[%mul3A_2, %dma_wait3A_21] : memref<25600x128xf32, #tpu.memory_space<hbm>> -> memref<800x128xf32, #tpu.memory_space<hbm>>
      tpu.wait_dma2 semaphore(%run_scoped3A : memref<!tpu.dma_semaphore, #tpu.memory_space<semaphore_mem>>) src(%arg9 : memref<800x128xf32, #tpu.memory_space<vmem>>) dst(%dma_wait3A_22 : memref<800x128xf32, #tpu.memory_space<hbm>>)
      tpu.yield
    }) : () -> ()
    %mul3A_7 = arith.constant 40 : i32
    %mul3A_8 = arith.muli %add3A, %mul3A_7 : i32
    "tpu.region"() ({
      %run_scoped3A = tpu.sem_alloc : memref<!tpu.dma_semaphore, #tpu.memory_space<semaphore_mem>>
      %dma_start3A_15 = tpu.memref_slice %arg5[%mul3A_8] : memref<1280xi32, #tpu.memory_space<hbm>> -> memref<40xi32, #tpu.memory_space<hbm>>
      %dma_start3A_16 = tpu.memref_slice %arg5[%mul3A_8] : memref<1280xi32, #tpu.memory_space<hbm>> -> memref<40xi32, #tpu.memory_space<hbm>>
      tpu.enqueue_dma source(%dma_start3A_16 : memref<40xi32, #tpu.memory_space<hbm>>) target(%arg10 : memref<40xi32, #tpu.memory_space<vmem>>) target_semaphore(%run_scoped3A : memref<!tpu.dma_semaphore, #tpu.memory_space<semaphore_mem>>)
      %dma_wait3A_17 = tpu.memref_slice %arg5[%mul3A_8] : memref<1280xi32, #tpu.memory_space<hbm>> -> memref<40xi32, #tpu.memory_space<hbm>>
      %dma_wait3A_18 = tpu.memref_slice %arg5[%mul3A_8] : memref<1280xi32, #tpu.memory_space<hbm>> -> memref<40xi32, #tpu.memory_space<hbm>>
      tpu.wait_dma2 semaphore(%run_scoped3A : memref<!tpu.dma_semaphore, #tpu.memory_space<semaphore_mem>>) src(%dma_wait3A_18 : memref<40xi32, #tpu.memory_space<hbm>>) dst(%arg10 : memref<40xi32, #tpu.memory_space<vmem>>)
      tpu.yield
    }) : () -> ()
    %dma_start3A_9 = arith.constant 0 : i32
    %dma_start3A_10 = arith.constant 0 : i32
    %dma_start3A_11 = tpu.memref_slice %arg3[%dma_start3A_9, %dma_start3A_10] : memref<50176x128xf32, #tpu.memory_space<hbm>> -> memref<50176x128xf32, #tpu.memory_space<hbm>>
    tpu.enqueue_indirect_dma source(%dma_start3A_11 : memref<50176x128xf32, #tpu.memory_space<hbm>>) target(%arg11 : memref<40x128xf32, #tpu.memory_space<vmem>>) offsets(%arg10 : memref<40xi32, #tpu.memory_space<vmem>>) semaphore(%arg12 : memref<!tpu.dma_semaphore, #tpu.memory_space<semaphore_mem>>)
    %dma_wait3A_12 = arith.constant 0 : i32
    %dma_wait3A_13 = arith.constant 0 : i32
    %dma_wait3A_14 = tpu.memref_slice %arg3[%dma_wait3A_12, %dma_wait3A_13] : memref<50176x128xf32, #tpu.memory_space<hbm>> -> memref<50176x128xf32, #tpu.memory_space<hbm>>
    tpu.wait_indirect_dma semaphore(%arg12 : memref<!tpu.dma_semaphore, #tpu.memory_space<semaphore_mem>>) src(%dma_wait3A_14 : memref<50176x128xf32, #tpu.memory_space<hbm>>) dst(%arg11 : memref<40x128xf32, #tpu.memory_space<vmem>>)
    "tpu.region"() ({
      %run_scoped3A = tpu.sem_alloc : memref<!tpu.dma_semaphore, #tpu.memory_space<semaphore_mem>>
      %dma_start3A_15 = arith.constant 0 : i32
      %dma_start3A_16 = tpu.memref_slice %arg7[%mul3A_8, %dma_start3A_15] : memref<1280x128xf32, #tpu.memory_space<hbm>> -> memref<40x128xf32, #tpu.memory_space<hbm>>
      %dma_start3A_17 = arith.constant 0 : i32
      %dma_start3A_18 = tpu.memref_slice %arg7[%mul3A_8, %dma_start3A_17] : memref<1280x128xf32, #tpu.memory_space<hbm>> -> memref<40x128xf32, #tpu.memory_space<hbm>>
      tpu.enqueue_dma source(%arg11 : memref<40x128xf32, #tpu.memory_space<vmem>>) target(%dma_start3A_18 : memref<40x128xf32, #tpu.memory_space<hbm>>) target_semaphore(%run_scoped3A : memref<!tpu.dma_semaphore, #tpu.memory_space<semaphore_mem>>)
      %dma_wait3A_19 = arith.constant 0 : i32
      %dma_wait3A_20 = tpu.memref_slice %arg7[%mul3A_8, %dma_wait3A_19] : memref<1280x128xf32, #tpu.memory_space<hbm>> -> memref<40x128xf32, #tpu.memory_space<hbm>>
      %dma_wait3A_21 = arith.constant 0 : i32
      %dma_wait3A_22 = tpu.memref_slice %arg7[%mul3A_8, %dma_wait3A_21] : memref<1280x128xf32, #tpu.memory_space<hbm>> -> memref<40x128xf32, #tpu.memory_space<hbm>>
      tpu.wait_dma2 semaphore(%run_scoped3A : memref<!tpu.dma_semaphore, #tpu.memory_space<semaphore_mem>>) src(%arg11 : memref<40x128xf32, #tpu.memory_space<vmem>>) dst(%dma_wait3A_22 : memref<40x128xf32, #tpu.memory_space<hbm>>)
      tpu.yield
    }) : () -> ()
    return
  }
}

module attributes {stable_mosaic.version = 14 : i64} {
  func.func @_fps_body(%arg0: memref<392x128xf32, #tpu.memory_space<vmem>>, %arg1: memref<392x128xf32, #tpu.memory_space<vmem>>, %arg2: memref<392x128xf32, #tpu.memory_space<vmem>>, %arg3: memref<50176x8xf32, #tpu.memory_space<vmem>>, %arg4: memref<1280x8xi32, #tpu.memory_space<vmem>>, %arg5: memref<1280x8xf32, #tpu.memory_space<vmem>>, %arg6: memref<392x128xf32, #tpu.memory_space<vmem>>, %arg7: memref<392x128xi32, #tpu.memory_space<vmem>>) attributes {dimension_semantics = [], scalar_prefetch = 0 : i64, scratch_operands = 2 : i64, tpu.core_type = #tpu.core_type<tc>} {
    %iota3A = tpu.iota {dimensions = array<i32: 0>} : vector<392x128xi32>
    %mul3A = arith.constant 128 : i32
    %mul3A_0 = vector.broadcast %mul3A : i32 to vector<392x128xi32>
    %mul3A_1 = arith.muli %iota3A, %mul3A_0 : vector<392x128xi32>
    %iota3A_2 = tpu.iota {dimensions = array<i32: 1>} : vector<392x128xi32>
    %add3A = arith.addi %mul3A_1, %iota3A_2 : vector<392x128xi32>
    %swap3A = arith.constant 0 : index
    %swap3A_3 = arith.constant 0 : index
    %swap3A_4 = vector.load %arg7[%swap3A, %swap3A_3] : memref<392x128xi32, #tpu.memory_space<vmem>>, vector<392x128xi32>
    tpu.vector_store %arg7[%swap3A, %swap3A_3], %add3A {strides = array<i32>} : memref<392x128xi32, #tpu.memory_space<vmem>>, vector<392x128xi32>,
    %lt3A = arith.constant 50000 : i32
    %lt3A_5 = vector.broadcast %lt3A : i32 to vector<392x128xi32>
    %lt3A_6 = arith.cmpi slt, %add3A, %lt3A_5 : vector<392x128xi32>
    %jit3A = arith.constant 1.000000e+10 : f32
    %jit3A_7 = arith.constant -1.000000e+30 : f32
    %broadcast_in_dim3A = vector.broadcast %jit3A : f32 to vector<392x128xf32>
    %broadcast_in_dim3A_8 = vector.broadcast %jit3A_7 : f32 to vector<392x128xf32>
    %select_n3A = arith.select %lt3A_6, %broadcast_in_dim3A, %broadcast_in_dim3A_8 : vector<392x128xi1>, vector<392x128xf32>
    %swap3A_9 = arith.constant 0 : index
    %swap3A_10 = arith.constant 0 : index
    %swap3A_11 = vector.load %arg6[%swap3A_9, %swap3A_10] : memref<392x128xf32, #tpu.memory_space<vmem>>, vector<392x128xf32>
    tpu.vector_store %arg6[%swap3A_9, %swap3A_10], %select_n3A {strides = array<i32>} : memref<392x128xf32, #tpu.memory_space<vmem>>, vector<392x128xf32>,
    %broadcast_in_dim3A_12 = arith.constant 0 : i32
    %broadcast_in_dim3A_13 = vector.broadcast %broadcast_in_dim3A_12 : i32 to vector<1280x8xi32>
    %swap3A_14 = arith.constant 0 : index
    %swap3A_15 = arith.constant 0 : index
    %swap3A_16 = vector.load %arg4[%swap3A_14, %swap3A_15] : memref<1280x8xi32, #tpu.memory_space<vmem>>, vector<1280x8xi32>
    tpu.vector_store %arg4[%swap3A_14, %swap3A_15], %broadcast_in_dim3A_13 {strides = array<i32>} : memref<1280x8xi32, #tpu.memory_space<vmem>>, vector<1280x8xi32>,
    %broadcast_in_dim3A_17 = arith.constant 0.000000e+00 : f32
    %broadcast_in_dim3A_18 = vector.broadcast %broadcast_in_dim3A_17 : f32 to vector<1280x8xf32>
    %swap3A_19 = arith.constant 0 : index
    %swap3A_20 = arith.constant 0 : index
    %swap3A_21 = vector.load %arg5[%swap3A_19, %swap3A_20] : memref<1280x8xf32, #tpu.memory_space<vmem>>, vector<1280x8xf32>
    tpu.vector_store %arg5[%swap3A_19, %swap3A_20], %broadcast_in_dim3A_18 {strides = array<i32>} : memref<1280x8xf32, #tpu.memory_space<vmem>>, vector<1280x8xf32>,
    %get3A = arith.constant 0 : index
    %get3A_22 = arith.constant 0 : index
    %get3A_23 = vector.load %arg3[%get3A, %get3A_22] : memref<50176x8xf32, #tpu.memory_space<vmem>>, vector<1x8xf32>
    %swap3A_24 = arith.constant 0 : index
    %swap3A_25 = arith.constant 0 : index
    %swap3A_26 = vector.load %arg5[%swap3A_24, %swap3A_25] : memref<1280x8xf32, #tpu.memory_space<vmem>>, vector<1x8xf32>
    tpu.vector_store %arg5[%swap3A_24, %swap3A_25], %get3A_23 {strides = array<i32>} : memref<1280x8xf32, #tpu.memory_space<vmem>>, vector<1x8xf32>,
    %scan3A = arith.constant 1 : i32
    %scan3A_27 = arith.constant 1249 : i32
    %scan3A_28 = arith.addi %scan3A, %scan3A_27 : i32
    %scan3A_29 = arith.constant 1 : i32
    %scan3A_30 = scf.for %scan3A_32 = %scan3A to %scan3A_28 step %scan3A_29 iter_args(%scan3A_33 = %get3A_23) -> (vector<1x8xf32>)  : i32 {
      %slice3A = vector.extract_strided_slice %scan3A_33 {offsets = [0, 0], sizes = [1, 1], strides = [1, 1]} : vector<1x8xf32> to vector<1x1xf32>
      %slice3A_34 = vector.extract_strided_slice %scan3A_33 {offsets = [0, 1], sizes = [1, 1], strides = [1, 1]} : vector<1x8xf32> to vector<1x1xf32>
      %slice3A_35 = vector.extract_strided_slice %scan3A_33 {offsets = [0, 2], sizes = [1, 1], strides = [1, 1]} : vector<1x8xf32> to vector<1x1xf32>
      %get3A_36 = arith.constant 0 : index
      %get3A_37 = arith.constant 0 : index
      %get3A_38 = vector.load %arg0[%get3A_36, %get3A_37] : memref<392x128xf32, #tpu.memory_space<vmem>>, vector<392x128xf32>
      %sub3A = vector.broadcast %slice3A : vector<1x1xf32> to vector<392x128xf32>
      %sub3A_39 = arith.subf %get3A_38, %sub3A : vector<392x128xf32>
      %integer_pow3A = arith.mulf %sub3A_39, %sub3A_39 : vector<392x128xf32>
      %get3A_40 = arith.constant 0 : index
      %get3A_41 = arith.constant 0 : index
      %get3A_42 = vector.load %arg1[%get3A_40, %get3A_41] : memref<392x128xf32, #tpu.memory_space<vmem>>, vector<392x128xf32>
      %sub3A_43 = vector.broadcast %slice3A_34 : vector<1x1xf32> to vector<392x128xf32>
      %sub3A_44 = arith.subf %get3A_42, %sub3A_43 : vector<392x128xf32>
      %integer_pow3A_45 = arith.mulf %sub3A_44, %sub3A_44 : vector<392x128xf32>
      %add3A_46 = arith.addf %integer_pow3A, %integer_pow3A_45 : vector<392x128xf32>
      %get3A_47 = arith.constant 0 : index
      %get3A_48 = arith.constant 0 : index
      %get3A_49 = vector.load %arg2[%get3A_47, %get3A_48] : memref<392x128xf32, #tpu.memory_space<vmem>>, vector<392x128xf32>
      %sub3A_50 = vector.broadcast %slice3A_35 : vector<1x1xf32> to vector<392x128xf32>
      %sub3A_51 = arith.subf %get3A_49, %sub3A_50 : vector<392x128xf32>
      %integer_pow3A_52 = arith.mulf %sub3A_51, %sub3A_51 : vector<392x128xf32>
      %add3A_53 = arith.addf %add3A_46, %integer_pow3A_52 : vector<392x128xf32>
      %get3A_54 = arith.constant 0 : index
      %get3A_55 = arith.constant 0 : index
      %get3A_56 = vector.load %arg6[%get3A_54, %get3A_55] : memref<392x128xf32, #tpu.memory_space<vmem>>, vector<392x128xf32>
      %min3A = arith.minimumf %get3A_56, %add3A_53 : vector<392x128xf32>
      %swap3A_57 = arith.constant 0 : index
      %swap3A_58 = arith.constant 0 : index
      %swap3A_59 = vector.load %arg6[%swap3A_57, %swap3A_58] : memref<392x128xf32, #tpu.memory_space<vmem>>, vector<392x128xf32>
      tpu.vector_store %arg6[%swap3A_57, %swap3A_58], %min3A {strides = array<i32>} : memref<392x128xf32, #tpu.memory_space<vmem>>, vector<392x128xf32>,
      %reduce_max3A = vector.shape_cast %min3A : vector<392x128xf32> to vector<1x392x128xf32>
      %reduce_max3A_60 = arith.constant dense<0xFF800000> : vector<1xf32>
      %reduce_max3A_61 = vector.multi_reduction <maximumf>, %reduce_max3A, %reduce_max3A_60 [1, 2] : vector<1x392x128xf32> to vector<1xf32>
      %reduce_max3A_62 = vector.shape_cast %reduce_max3A_61 : vector<1xf32> to vector<1x1x1xf32>
      %reduce_max3A_63 = vector.extract %reduce_max3A_62[0, 0, 0] : f32 from vector<1x1x1xf32>
      %eq3A = vector.broadcast %reduce_max3A_63 : f32 to vector<392x128xf32>
      %eq3A_64 = arith.cmpf oeq, %min3A, %eq3A : vector<392x128xf32>
      %get3A_65 = arith.constant 0 : index
      %get3A_66 = arith.constant 0 : index
      %get3A_67 = vector.load %arg7[%get3A_65, %get3A_66] : memref<392x128xi32, #tpu.memory_space<vmem>>, vector<392x128xi32>
      %jit3A_68 = arith.constant 1073741824 : i32
      %broadcast_in_dim3A_69 = vector.broadcast %jit3A_68 : i32 to vector<392x128xi32>
      %select_n3A_70 = arith.select %eq3A_64, %get3A_67, %broadcast_in_dim3A_69 : vector<392x128xi1>, vector<392x128xi32>
      %reduce_min3A = vector.shape_cast %select_n3A_70 : vector<392x128xi32> to vector<1x392x128xi32>
      %reduce_min3A_71 = arith.constant dense<2147483647> : vector<1xi32>
      %reduce_min3A_72 = vector.multi_reduction <minsi>, %reduce_min3A, %reduce_min3A_71 [1, 2] : vector<1x392x128xi32> to vector<1xi32>
      %reduce_min3A_73 = vector.shape_cast %reduce_min3A_72 : vector<1xi32> to vector<1x1x1xi32>
      %reduce_min3A_74 = vector.extract %reduce_min3A_73[0, 0, 0] : i32 from vector<1x1x1xi32>
      %broadcast_in_dim3A_75 = vector.broadcast %reduce_min3A_74 : i32 to vector<1x8xi32>
      %swap3A_76 = arith.index_cast %scan3A_32 : i32 to index
      %swap3A_77 = arith.constant 0 : index
      %swap3A_78 = vector.load %arg4[%swap3A_76, %swap3A_77] : memref<1280x8xi32, #tpu.memory_space<vmem>>, vector<1x8xi32>
      tpu.vector_store %arg4[%swap3A_76, %swap3A_77], %broadcast_in_dim3A_75 {strides = array<i32>} : memref<1280x8xi32, #tpu.memory_space<vmem>>, vector<1x8xi32>,
      %get3A_79 = arith.index_cast %reduce_min3A_74 : i32 to index
      %get3A_80 = arith.constant 0 : index
      %get3A_81 = vector.load %arg3[%get3A_79, %get3A_80] : memref<50176x8xf32, #tpu.memory_space<vmem>>, vector<1x8xf32>
      %swap3A_82 = arith.index_cast %scan3A_32 : i32 to index
      %swap3A_83 = arith.constant 0 : index
      %swap3A_84 = vector.load %arg5[%swap3A_82, %swap3A_83] : memref<1280x8xf32, #tpu.memory_space<vmem>>, vector<1x8xf32>
      tpu.vector_store %arg5[%swap3A_82, %swap3A_83], %get3A_81 {strides = array<i32>} : memref<1280x8xf32, #tpu.memory_space<vmem>>, vector<1x8xf32>,
      scf.yield %get3A_81 : vector<1x8xf32>
    }
    %scan3A_31 = arith.constant 1249 : i32
    return
  }
}

module attributes {stable_mosaic.version = 14 : i64} {
  func.func @_knn_body(%arg0: i32, %arg1: memref<32x1x8xf32, #tpu.memory_space<vmem>>, %arg2: memref<1x128x392xf32, #tpu.memory_space<vmem>>, %arg3: memref<1x128x392xf32, #tpu.memory_space<vmem>>, %arg4: memref<1x128x392xf32, #tpu.memory_space<vmem>>, %arg5: memref<32x128xi32, #tpu.memory_space<vmem>>) attributes {dimension_semantics = [#tpu.dimension_semantics<arbitrary>], iteration_bounds = array<i64: 40>, scalar_prefetch = 0 : i64, scratch_operands = 0 : i64, tpu.core_type = #tpu.core_type<tc>, window_params = [{transform_indices = @transform_0, window_bounds = array<i64: 32, 1, 8>}, {pipeline_mode = #tpu.pipeline_mode<synchronous>, transform_indices = @transform_1, window_bounds = array<i64: 1, 128, 392>}, {pipeline_mode = #tpu.pipeline_mode<synchronous>, transform_indices = @transform_2, window_bounds = array<i64: 1, 128, 392>}, {pipeline_mode = #tpu.pipeline_mode<synchronous>, transform_indices = @transform_3, window_bounds = array<i64: 1, 128, 392>}, {transform_indices = @transform_4, window_bounds = array<i64: 32, 128>}]} {
    %get3A = arith.constant 0 : index
    %get3A_0 = arith.constant 0 : index
    %get3A_1 = arith.constant 0 : index
    %get3A_2 = vector.load %arg1[%get3A, %get3A_0, %get3A_1] : memref<32x1x8xf32, #tpu.memory_space<vmem>>, vector<32x1x1xf32>
    %get3A_3 = arith.constant 0 : index
    %get3A_4 = arith.constant 0 : index
    %get3A_5 = arith.constant 1 : index
    %get3A_6 = vector.load %arg1[%get3A_3, %get3A_4, %get3A_5] : memref<32x1x8xf32, #tpu.memory_space<vmem>>, vector<32x1x1xf32>
    %get3A_7 = arith.constant 0 : index
    %get3A_8 = arith.constant 0 : index
    %get3A_9 = arith.constant 2 : index
    %get3A_10 = vector.load %arg1[%get3A_7, %get3A_8, %get3A_9] : memref<32x1x8xf32, #tpu.memory_space<vmem>>, vector<32x1x1xf32>
    %iota3A = tpu.iota {dimensions = array<i32: 2>} : vector<32x128x392xi32>
    %get3A_11 = arith.constant 0 : index
    %get3A_12 = arith.constant 0 : index
    %get3A_13 = arith.constant 0 : index
    %get3A_14 = vector.load %arg2[%get3A_11, %get3A_12, %get3A_13] : memref<1x128x392xf32, #tpu.memory_space<vmem>>, vector<1x128x392xf32>
    %sub3A = vector.broadcast %get3A_2 : vector<32x1x1xf32> to vector<32x128x392xf32>
    %sub3A_15 = vector.broadcast %get3A_14 : vector<1x128x392xf32> to vector<32x128x392xf32>
    %sub3A_16 = arith.subf %sub3A, %sub3A_15 : vector<32x128x392xf32>
    %integer_pow3A = arith.mulf %sub3A_16, %sub3A_16 : vector<32x128x392xf32>
    %get3A_17 = arith.constant 0 : index
    %get3A_18 = arith.constant 0 : index
    %get3A_19 = arith.constant 0 : index
    %get3A_20 = vector.load %arg3[%get3A_17, %get3A_18, %get3A_19] : memref<1x128x392xf32, #tpu.memory_space<vmem>>, vector<1x128x392xf32>
    %sub3A_21 = vector.broadcast %get3A_6 : vector<32x1x1xf32> to vector<32x128x392xf32>
    %sub3A_22 = vector.broadcast %get3A_20 : vector<1x128x392xf32> to vector<32x128x392xf32>
    %sub3A_23 = arith.subf %sub3A_21, %sub3A_22 : vector<32x128x392xf32>
    %integer_pow3A_24 = arith.mulf %sub3A_23, %sub3A_23 : vector<32x128x392xf32>
    %add3A = arith.addf %integer_pow3A, %integer_pow3A_24 : vector<32x128x392xf32>
    %get3A_25 = arith.constant 0 : index
    %get3A_26 = arith.constant 0 : index
    %get3A_27 = arith.constant 0 : index
    %get3A_28 = vector.load %arg4[%get3A_25, %get3A_26, %get3A_27] : memref<1x128x392xf32, #tpu.memory_space<vmem>>, vector<1x128x392xf32>
    %sub3A_29 = vector.broadcast %get3A_10 : vector<32x1x1xf32> to vector<32x128x392xf32>
    %sub3A_30 = vector.broadcast %get3A_28 : vector<1x128x392xf32> to vector<32x128x392xf32>
    %sub3A_31 = arith.subf %sub3A_29, %sub3A_30 : vector<32x128x392xf32>
    %integer_pow3A_32 = arith.mulf %sub3A_31, %sub3A_31 : vector<32x128x392xf32>
    %add3A_33 = arith.addf %add3A, %integer_pow3A_32 : vector<32x128x392xf32>
    %reduce_min3A = arith.constant dense<0x7F800000> : vector<32x128xf32>
    %reduce_min3A_34 = vector.multi_reduction <minimumf>, %add3A_33, %reduce_min3A [2] : vector<32x128x392xf32> to vector<32x128xf32>
    %broadcast_in_dim3A = vector.shape_cast %reduce_min3A_34 : vector<32x128xf32> to vector<32x128x1xf32>
    %eq3A = vector.broadcast %broadcast_in_dim3A : vector<32x128x1xf32> to vector<32x128x392xf32>
    %eq3A_35 = arith.cmpf oeq, %add3A_33, %eq3A : vector<32x128x392xf32>
    %jit3A = arith.constant 1073741824 : i32
    %broadcast_in_dim3A_36 = vector.broadcast %jit3A : i32 to vector<32x128x392xi32>
    %select_n3A = arith.select %eq3A_35, %iota3A, %broadcast_in_dim3A_36 : vector<32x128x392xi1>, vector<32x128x392xi32>
    %reduce_min3A_37 = arith.constant dense<2147483647> : vector<32x128xi32>
    %reduce_min3A_38 = vector.multi_reduction <minsi>, %select_n3A, %reduce_min3A_37 [2] : vector<32x128x392xi32> to vector<32x128xi32>
    %broadcast_in_dim3A_39 = vector.shape_cast %reduce_min3A_38 : vector<32x128xi32> to vector<32x128x1xi32>
    %eq3A_40 = vector.broadcast %broadcast_in_dim3A_39 : vector<32x128x1xi32> to vector<32x128x392xi32>
    %eq3A_41 = arith.cmpi eq, %iota3A, %eq3A_40 : vector<32x128x392xi32>
    %jit3A_42 = arith.constant 0x7F800000 : f32
    %broadcast_in_dim3A_43 = vector.broadcast %jit3A_42 : f32 to vector<32x128x392xf32>
    %select_n3A_44 = arith.select %eq3A_41, %broadcast_in_dim3A_43, %add3A_33 : vector<32x128x392xi1>, vector<32x128x392xf32>
    %reduce_min3A_45 = arith.constant dense<0x7F800000> : vector<32x128xf32>
    %reduce_min3A_46 = vector.multi_reduction <minimumf>, %select_n3A_44, %reduce_min3A_45 [2] : vector<32x128x392xf32> to vector<32x128xf32>
    %broadcast_in_dim3A_47 = vector.shape_cast %reduce_min3A_46 : vector<32x128xf32> to vector<32x128x1xf32>
    %eq3A_48 = vector.broadcast %broadcast_in_dim3A_47 : vector<32x128x1xf32> to vector<32x128x392xf32>
    %eq3A_49 = arith.cmpf oeq, %select_n3A_44, %eq3A_48 : vector<32x128x392xf32>
    %jit3A_50 = arith.constant 1073741824 : i32
    %broadcast_in_dim3A_51 = vector.broadcast %jit3A_50 : i32 to vector<32x128x392xi32>
    %select_n3A_52 = arith.select %eq3A_49, %iota3A, %broadcast_in_dim3A_51 : vector<32x128x392xi1>, vector<32x128x392xi32>
    %reduce_min3A_53 = arith.constant dense<2147483647> : vector<32x128xi32>
    %reduce_min3A_54 = vector.multi_reduction <minsi>, %select_n3A_52, %reduce_min3A_53 [2] : vector<32x128x392xi32> to vector<32x128xi32>
    %broadcast_in_dim3A_55 = vector.shape_cast %reduce_min3A_54 : vector<32x128xi32> to vector<32x128x1xi32>
    %eq3A_56 = vector.broadcast %broadcast_in_dim3A_55 : vector<32x128x1xi32> to vector<32x128x392xi32>
    %eq3A_57 = arith.cmpi eq, %iota3A, %eq3A_56 : vector<32x128x392xi32>
    %jit3A_58 = arith.constant 0x7F800000 : f32
    %broadcast_in_dim3A_59 = vector.broadcast %jit3A_58 : f32 to vector<32x128x392xf32>
    %select_n3A_60 = arith.select %eq3A_57, %broadcast_in_dim3A_59, %select_n3A_44 : vector<32x128x392xi1>, vector<32x128x392xf32>
    %reduce_min3A_61 = arith.constant dense<0x7F800000> : vector<32x128xf32>
    %reduce_min3A_62 = vector.multi_reduction <minimumf>, %select_n3A_60, %reduce_min3A_61 [2] : vector<32x128x392xf32> to vector<32x128xf32>
    %broadcast_in_dim3A_63 = vector.shape_cast %reduce_min3A_62 : vector<32x128xf32> to vector<32x128x1xf32>
    %eq3A_64 = vector.broadcast %broadcast_in_dim3A_63 : vector<32x128x1xf32> to vector<32x128x392xf32>
    %eq3A_65 = arith.cmpf oeq, %select_n3A_60, %eq3A_64 : vector<32x128x392xf32>
    %jit3A_66 = arith.constant 1073741824 : i32
    %broadcast_in_dim3A_67 = vector.broadcast %jit3A_66 : i32 to vector<32x128x392xi32>
    %select_n3A_68 = arith.select %eq3A_65, %iota3A, %broadcast_in_dim3A_67 : vector<32x128x392xi1>, vector<32x128x392xi32>
    %reduce_min3A_69 = arith.constant dense<2147483647> : vector<32x128xi32>
    %reduce_min3A_70 = vector.multi_reduction <minsi>, %select_n3A_68, %reduce_min3A_69 [2] : vector<32x128x392xi32> to vector<32x128xi32>
    %iota3A_71 = tpu.iota {dimensions = array<i32: 1>} : vector<32x128xi32>
    %broadcast_in_dim3A_72 = arith.constant 0 : i32
    %broadcast_in_dim3A_73 = vector.broadcast %broadcast_in_dim3A_72 : i32 to vector<32x128xi32>
    %broadcast_in_dim3A_74 = arith.constant 0.000000e+00 : f32
    %broadcast_in_dim3A_75 = vector.broadcast %broadcast_in_dim3A_74 : f32 to vector<32x128xf32>
    %broadcast_in_dim3A_76 = arith.constant 0 : i32
    %broadcast_in_dim3A_77 = vector.broadcast %broadcast_in_dim3A_76 : i32 to vector<32x128xi32>
    %scan3A = arith.constant 0 : i32
    %scan3A_78 = arith.constant 20 : i32
    %scan3A_79 = arith.addi %scan3A, %scan3A_78 : i32
    %scan3A_80 = arith.constant 1 : i32
    %scan3A_81:9 = scf.for %scan3A_85 = %scan3A to %scan3A_79 step %scan3A_80 iter_args(%scan3A_86 = %broadcast_in_dim3A_73, %scan3A_87 = %reduce_min3A_34, %scan3A_88 = %reduce_min3A_38, %scan3A_89 = %reduce_min3A_46, %scan3A_90 = %reduce_min3A_54, %scan3A_91 = %reduce_min3A_62, %scan3A_92 = %reduce_min3A_70, %scan3A_93 = %broadcast_in_dim3A_75, %scan3A_94 = %broadcast_in_dim3A_77) -> (vector<32x128xi32>, vector<32x128xf32>, vector<32x128xi32>, vector<32x128xf32>, vector<32x128xi32>, vector<32x128xf32>, vector<32x128xi32>, vector<32x128xf32>, vector<32x128xi32>)  : i32 {
      %reduce_min3A_95 = arith.constant dense<0x7F800000> : vector<32xf32>
      %reduce_min3A_96 = vector.multi_reduction <minimumf>, %scan3A_87, %reduce_min3A_95 [1] : vector<32x128xf32> to vector<32xf32>
      %broadcast_in_dim3A_97 = vector.shape_cast %reduce_min3A_96 : vector<32xf32> to vector<32x1xf32>
      %eq3A_98 = vector.broadcast %broadcast_in_dim3A_97 : vector<32x1xf32> to vector<32x128xf32>
      %eq3A_99 = arith.cmpf oeq, %scan3A_87, %eq3A_98 : vector<32x128xf32>
      %jit3A_100 = arith.constant 1073741824 : i32
      %broadcast_in_dim3A_101 = vector.broadcast %jit3A_100 : i32 to vector<32x128xi32>
      %select_n3A_102 = arith.select %eq3A_99, %iota3A_71, %broadcast_in_dim3A_101 : vector<32x128xi1>, vector<32x128xi32>
      %reduce_min3A_103 = arith.constant dense<2147483647> : vector<32xi32>
      %reduce_min3A_104 = vector.multi_reduction <minsi>, %select_n3A_102, %reduce_min3A_103 [1] : vector<32x128xi32> to vector<32xi32>
      %broadcast_in_dim3A_105 = vector.shape_cast %reduce_min3A_104 : vector<32xi32> to vector<32x1xi32>
      %eq3A_106 = vector.broadcast %broadcast_in_dim3A_105 : vector<32x1xi32> to vector<32x128xi32>
      %eq3A_107 = arith.cmpi eq, %iota3A_71, %eq3A_106 : vector<32x128xi32>
      %jit3A_108 = arith.constant 1073741824 : i32
      %broadcast_in_dim3A_109 = vector.broadcast %jit3A_108 : i32 to vector<32x128xi32>
      %select_n3A_110 = arith.select %eq3A_107, %scan3A_88, %broadcast_in_dim3A_109 : vector<32x128xi1>, vector<32x128xi32>
      %reduce_min3A_111 = arith.constant dense<2147483647> : vector<32xi32>
      %reduce_min3A_112 = vector.multi_reduction <minsi>, %select_n3A_110, %reduce_min3A_111 [1] : vector<32x128xi32> to vector<32xi32>
      %broadcast_in_dim3A_113 = vector.shape_cast %reduce_min3A_112 : vector<32xi32> to vector<32x1xi32>
      %eq3A_114 = vector.broadcast %scan3A_85 : i32 to vector<32x128xi32>
      %eq3A_115 = arith.cmpi eq, %iota3A_71, %eq3A_114 : vector<32x128xi32>
      %mul3A = arith.constant 392 : i32
      %mul3A_116 = vector.broadcast %mul3A : i32 to vector<32x1xi32>
      %mul3A_117 = arith.muli %broadcast_in_dim3A_105, %mul3A_116 : vector<32x1xi32>
      %add3A_118 = arith.addi %mul3A_117, %broadcast_in_dim3A_113 : vector<32x1xi32>
      %broadcast_in_dim3A_119 = vector.shape_cast %add3A_118 : vector<32x1xi32> to vector<32x1xi32>
      %broadcast_in_dim3A_120 = vector.broadcast %broadcast_in_dim3A_119 : vector<32x1xi32> to vector<32x128xi32>
      %select_n3A_121 = arith.select %eq3A_115, %broadcast_in_dim3A_120, %scan3A_86 : vector<32x128xi1>, vector<32x128xi32>
      %broadcast_in_dim3A_122 = vector.shape_cast %broadcast_in_dim3A_97 : vector<32x1xf32> to vector<32x1xf32>
      %broadcast_in_dim3A_123 = vector.broadcast %broadcast_in_dim3A_122 : vector<32x1xf32> to vector<32x128xf32>
      %select_n3A_124 = arith.select %eq3A_107, %broadcast_in_dim3A_123, %scan3A_93 : vector<32x128xi1>, vector<32x128xf32>
      %broadcast_in_dim3A_125 = vector.shape_cast %broadcast_in_dim3A_113 : vector<32x1xi32> to vector<32x1xi32>
      %broadcast_in_dim3A_126 = vector.broadcast %broadcast_in_dim3A_125 : vector<32x1xi32> to vector<32x128xi32>
      %select_n3A_127 = arith.select %eq3A_107, %broadcast_in_dim3A_126, %scan3A_94 : vector<32x128xi1>, vector<32x128xi32>
      %select_n3A_128 = arith.select %eq3A_107, %scan3A_89, %scan3A_87 : vector<32x128xi1>, vector<32x128xf32>
      %select_n3A_129 = arith.select %eq3A_107, %scan3A_90, %scan3A_88 : vector<32x128xi1>, vector<32x128xi32>
      %select_n3A_130 = arith.select %eq3A_107, %scan3A_91, %scan3A_89 : vector<32x128xi1>, vector<32x128xf32>
      %select_n3A_131 = arith.select %eq3A_107, %scan3A_92, %scan3A_90 : vector<32x128xi1>, vector<32x128xi32>
      %jit3A_132 = arith.constant 0x7F800000 : f32
      %broadcast_in_dim3A_133 = vector.broadcast %jit3A_132 : f32 to vector<32x128xf32>
      %select_n3A_134 = arith.select %eq3A_107, %broadcast_in_dim3A_133, %scan3A_91 : vector<32x128xi1>, vector<32x128xf32>
      %jit3A_135 = arith.constant 1073741824 : i32
      %broadcast_in_dim3A_136 = vector.broadcast %jit3A_135 : i32 to vector<32x128xi32>
      %select_n3A_137 = arith.select %eq3A_107, %broadcast_in_dim3A_136, %scan3A_92 : vector<32x128xi1>, vector<32x128xi32>
      %eq3A_138 = arith.constant 0x7F800000 : f32
      %eq3A_139 = vector.broadcast %eq3A_138 : f32 to vector<32x128xf32>
      %eq3A_140 = arith.cmpf oeq, %select_n3A_128, %eq3A_139 : vector<32x128xf32>
      %and3A = arith.andi %eq3A_107, %eq3A_140 : vector<32x128xi1>
      %reduce_or3A = arith.constant 1.000000e+00 : f32
      %reduce_or3A_141 = arith.constant 0.000000e+00 : f32
      %reduce_or3A_142 = vector.broadcast %reduce_or3A : f32 to vector<32x128xf32>
      %reduce_or3A_143 = vector.broadcast %reduce_or3A_141 : f32 to vector<32x128xf32>
      %reduce_or3A_144 = arith.select %and3A, %reduce_or3A_142, %reduce_or3A_143 : vector<32x128xi1>, vector<32x128xf32>
      %reduce_or3A_145 = vector.shape_cast %reduce_or3A_144 : vector<32x128xf32> to vector<1x32x128xf32>
      %reduce_or3A_146 = arith.constant dense<0xFF800000> : vector<1xf32>
      %reduce_or3A_147 = vector.multi_reduction <maximumf>, %reduce_or3A_145, %reduce_or3A_146 [1, 2] : vector<1x32x128xf32> to vector<1xf32>
      %reduce_or3A_148 = vector.shape_cast %reduce_or3A_147 : vector<1xf32> to vector<1x1x1xf32>
      %reduce_or3A_149 = vector.extract %reduce_or3A_148[0, 0, 0] : f32 from vector<1x1x1xf32>
      %reduce_or3A_150 = arith.constant 0.000000e+00 : f32
      %reduce_or3A_151 = arith.cmpf ogt, %reduce_or3A_149, %reduce_or3A_150 : f32
      %convert_element_type3A = arith.extui %reduce_or3A_151 : i1 to i32
      %cond3A = arith.constant 0 : i32
      %cond3A_152 = arith.cmpi ne, %convert_element_type3A, %cond3A : i32
      %cond3A_153:6 = scf.if %cond3A_152 -> (vector<32x128xf32>, vector<32x128xi32>, vector<32x128xf32>, vector<32x128xi32>, vector<32x128xf32>, vector<32x128xi32>) {
        %get3A_154 = arith.constant 0 : index
        %get3A_155 = arith.constant 0 : index
        %get3A_156 = arith.constant 0 : index
        %get3A_157 = vector.load %arg2[%get3A_154, %get3A_155, %get3A_156] : memref<1x128x392xf32, #tpu.memory_space<vmem>>, vector<1x128x392xf32>
        %sub3A_158 = vector.broadcast %get3A_2 : vector<32x1x1xf32> to vector<32x128x392xf32>
        %sub3A_159 = vector.broadcast %get3A_157 : vector<1x128x392xf32> to vector<32x128x392xf32>
        %sub3A_160 = arith.subf %sub3A_158, %sub3A_159 : vector<32x128x392xf32>
        %integer_pow3A_161 = arith.mulf %sub3A_160, %sub3A_160 : vector<32x128x392xf32>
        %get3A_162 = arith.constant 0 : index
        %get3A_163 = arith.constant 0 : index
        %get3A_164 = arith.constant 0 : index
        %get3A_165 = vector.load %arg3[%get3A_162, %get3A_163, %get3A_164] : memref<1x128x392xf32, #tpu.memory_space<vmem>>, vector<1x128x392xf32>
        %sub3A_166 = vector.broadcast %get3A_6 : vector<32x1x1xf32> to vector<32x128x392xf32>
        %sub3A_167 = vector.broadcast %get3A_165 : vector<1x128x392xf32> to vector<32x128x392xf32>
        %sub3A_168 = arith.subf %sub3A_166, %sub3A_167 : vector<32x128x392xf32>
        %integer_pow3A_169 = arith.mulf %sub3A_168, %sub3A_168 : vector<32x128x392xf32>
        %add3A_170 = arith.addf %integer_pow3A_161, %integer_pow3A_169 : vector<32x128x392xf32>
        %get3A_171 = arith.constant 0 : index
        %get3A_172 = arith.constant 0 : index
        %get3A_173 = arith.constant 0 : index
        %get3A_174 = vector.load %arg4[%get3A_171, %get3A_172, %get3A_173] : memref<1x128x392xf32, #tpu.memory_space<vmem>>, vector<1x128x392xf32>
        %sub3A_175 = vector.broadcast %get3A_10 : vector<32x1x1xf32> to vector<32x128x392xf32>
        %sub3A_176 = vector.broadcast %get3A_174 : vector<1x128x392xf32> to vector<32x128x392xf32>
        %sub3A_177 = arith.subf %sub3A_175, %sub3A_176 : vector<32x128x392xf32>
        %integer_pow3A_178 = arith.mulf %sub3A_177, %sub3A_177 : vector<32x128x392xf32>
        %add3A_179 = arith.addf %add3A_170, %integer_pow3A_178 : vector<32x128x392xf32>
        %jit3A_180 = arith.constant 0x7F800000 : f32
        %broadcast_in_dim3A_181 = vector.broadcast %jit3A_180 : f32 to vector<32x128xf32>
        %select_n3A_182 = arith.select %and3A, %select_n3A_124, %broadcast_in_dim3A_181 : vector<32x128xi1>, vector<32x128xf32>
        %jit3A_183 = arith.constant 1073741824 : i32
        %broadcast_in_dim3A_184 = vector.broadcast %jit3A_183 : i32 to vector<32x128xi32>
        %select_n3A_185 = arith.select %and3A, %select_n3A_127, %broadcast_in_dim3A_184 : vector<32x128xi1>, vector<32x128xi32>
        %broadcast_in_dim3A_186 = vector.shape_cast %select_n3A_182 : vector<32x128xf32> to vector<32x128x1xf32>
        %gt3A = vector.broadcast %broadcast_in_dim3A_186 : vector<32x128x1xf32> to vector<32x128x392xf32>
        %gt3A_187 = arith.cmpf ogt, %add3A_179, %gt3A : vector<32x128x392xf32>
        %broadcast_in_dim3A_188 = vector.shape_cast %select_n3A_182 : vector<32x128xf32> to vector<32x128x1xf32>
        %eq3A_189 = vector.broadcast %broadcast_in_dim3A_188 : vector<32x128x1xf32> to vector<32x128x392xf32>
        %eq3A_190 = arith.cmpf oeq, %add3A_179, %eq3A_189 : vector<32x128x392xf32>
        %broadcast_in_dim3A_191 = vector.shape_cast %select_n3A_185 : vector<32x128xi32> to vector<32x128x1xi32>
        %gt3A_192 = vector.broadcast %broadcast_in_dim3A_191 : vector<32x128x1xi32> to vector<32x128x392xi32>
        %gt3A_193 = arith.cmpi sgt, %iota3A, %gt3A_192 : vector<32x128x392xi32>
        %and3A_194 = arith.andi %eq3A_190, %gt3A_193 : vector<32x128x392xi1>
        %or3A = arith.ori %gt3A_187, %and3A_194 : vector<32x128x392xi1>
        %jit3A_195 = arith.constant 0x7F800000 : f32
        %broadcast_in_dim3A_196 = vector.broadcast %jit3A_195 : f32 to vector<32x128x392xf32>
        %select_n3A_197 = arith.select %or3A, %add3A_179, %broadcast_in_dim3A_196 : vector<32x128x392xi1>, vector<32x128x392xf32>
        %reduce_min3A_198 = arith.constant dense<0x7F800000> : vector<32x128xf32>
        %reduce_min3A_199 = vector.multi_reduction <minimumf>, %select_n3A_197, %reduce_min3A_198 [2] : vector<32x128x392xf32> to vector<32x128xf32>
        %broadcast_in_dim3A_200 = vector.shape_cast %reduce_min3A_199 : vector<32x128xf32> to vector<32x128x1xf32>
        %eq3A_201 = vector.broadcast %broadcast_in_dim3A_200 : vector<32x128x1xf32> to vector<32x128x392xf32>
        %eq3A_202 = arith.cmpf oeq, %select_n3A_197, %eq3A_201 : vector<32x128x392xf32>
        %jit3A_203 = arith.constant 1073741824 : i32
        %broadcast_in_dim3A_204 = vector.broadcast %jit3A_203 : i32 to vector<32x128x392xi32>
        %select_n3A_205 = arith.select %eq3A_202, %iota3A, %broadcast_in_dim3A_204 : vector<32x128x392xi1>, vector<32x128x392xi32>
        %reduce_min3A_206 = arith.constant dense<2147483647> : vector<32x128xi32>
        %reduce_min3A_207 = vector.multi_reduction <minsi>, %select_n3A_205, %reduce_min3A_206 [2] : vector<32x128x392xi32> to vector<32x128xi32>
        %broadcast_in_dim3A_208 = vector.shape_cast %reduce_min3A_207 : vector<32x128xi32> to vector<32x128x1xi32>
        %eq3A_209 = vector.broadcast %broadcast_in_dim3A_208 : vector<32x128x1xi32> to vector<32x128x392xi32>
        %eq3A_210 = arith.cmpi eq, %iota3A, %eq3A_209 : vector<32x128x392xi32>
        %jit3A_211 = arith.constant 0x7F800000 : f32
        %broadcast_in_dim3A_212 = vector.broadcast %jit3A_211 : f32 to vector<32x128x392xf32>
        %select_n3A_213 = arith.select %eq3A_210, %broadcast_in_dim3A_212, %select_n3A_197 : vector<32x128x392xi1>, vector<32x128x392xf32>
        %reduce_min3A_214 = arith.constant dense<0x7F800000> : vector<32x128xf32>
        %reduce_min3A_215 = vector.multi_reduction <minimumf>, %select_n3A_213, %reduce_min3A_214 [2] : vector<32x128x392xf32> to vector<32x128xf32>
        %broadcast_in_dim3A_216 = vector.shape_cast %reduce_min3A_215 : vector<32x128xf32> to vector<32x128x1xf32>
        %eq3A_217 = vector.broadcast %broadcast_in_dim3A_216 : vector<32x128x1xf32> to vector<32x128x392xf32>
        %eq3A_218 = arith.cmpf oeq, %select_n3A_213, %eq3A_217 : vector<32x128x392xf32>
        %jit3A_219 = arith.constant 1073741824 : i32
        %broadcast_in_dim3A_220 = vector.broadcast %jit3A_219 : i32 to vector<32x128x392xi32>
        %select_n3A_221 = arith.select %eq3A_218, %iota3A, %broadcast_in_dim3A_220 : vector<32x128x392xi1>, vector<32x128x392xi32>
        %reduce_min3A_222 = arith.constant dense<2147483647> : vector<32x128xi32>
        %reduce_min3A_223 = vector.multi_reduction <minsi>, %select_n3A_221, %reduce_min3A_222 [2] : vector<32x128x392xi32> to vector<32x128xi32>
        %broadcast_in_dim3A_224 = vector.shape_cast %reduce_min3A_223 : vector<32x128xi32> to vector<32x128x1xi32>
        %eq3A_225 = vector.broadcast %broadcast_in_dim3A_224 : vector<32x128x1xi32> to vector<32x128x392xi32>
        %eq3A_226 = arith.cmpi eq, %iota3A, %eq3A_225 : vector<32x128x392xi32>
        %jit3A_227 = arith.constant 0x7F800000 : f32
        %broadcast_in_dim3A_228 = vector.broadcast %jit3A_227 : f32 to vector<32x128x392xf32>
        %select_n3A_229 = arith.select %eq3A_226, %broadcast_in_dim3A_228, %select_n3A_213 : vector<32x128x392xi1>, vector<32x128x392xf32>
        %reduce_min3A_230 = arith.constant dense<0x7F800000> : vector<32x128xf32>
        %reduce_min3A_231 = vector.multi_reduction <minimumf>, %select_n3A_229, %reduce_min3A_230 [2] : vector<32x128x392xf32> to vector<32x128xf32>
        %broadcast_in_dim3A_232 = vector.shape_cast %reduce_min3A_231 : vector<32x128xf32> to vector<32x128x1xf32>
        %eq3A_233 = vector.broadcast %broadcast_in_dim3A_232 : vector<32x128x1xf32> to vector<32x128x392xf32>
        %eq3A_234 = arith.cmpf oeq, %select_n3A_229, %eq3A_233 : vector<32x128x392xf32>
        %jit3A_235 = arith.constant 1073741824 : i32
        %broadcast_in_dim3A_236 = vector.broadcast %jit3A_235 : i32 to vector<32x128x392xi32>
        %select_n3A_237 = arith.select %eq3A_234, %iota3A, %broadcast_in_dim3A_236 : vector<32x128x392xi1>, vector<32x128x392xi32>
        %reduce_min3A_238 = arith.constant dense<2147483647> : vector<32x128xi32>
        %reduce_min3A_239 = vector.multi_reduction <minsi>, %select_n3A_237, %reduce_min3A_238 [2] : vector<32x128x392xi32> to vector<32x128xi32>
        %select_n3A_240 = arith.select %and3A, %reduce_min3A_199, %select_n3A_128 : vector<32x128xi1>, vector<32x128xf32>
        %select_n3A_241 = arith.select %and3A, %reduce_min3A_207, %select_n3A_129 : vector<32x128xi1>, vector<32x128xi32>
        %select_n3A_242 = arith.select %and3A, %reduce_min3A_215, %select_n3A_130 : vector<32x128xi1>, vector<32x128xf32>
        %select_n3A_243 = arith.select %and3A, %reduce_min3A_223, %select_n3A_131 : vector<32x128xi1>, vector<32x128xi32>
        %select_n3A_244 = arith.select %and3A, %reduce_min3A_231, %select_n3A_134 : vector<32x128xi1>, vector<32x128xf32>
        %select_n3A_245 = arith.select %and3A, %reduce_min3A_239, %select_n3A_137 : vector<32x128xi1>, vector<32x128xi32>
        scf.yield %select_n3A_240, %select_n3A_241, %select_n3A_242, %select_n3A_243, %select_n3A_244, %select_n3A_245 : vector<32x128xf32>, vector<32x128xi32>, vector<32x128xf32>, vector<32x128xi32>, vector<32x128xf32>, vector<32x128xi32>
      } else {
        scf.yield %select_n3A_128, %select_n3A_129, %select_n3A_130, %select_n3A_131, %select_n3A_134, %select_n3A_137 : vector<32x128xf32>, vector<32x128xi32>, vector<32x128xf32>, vector<32x128xi32>, vector<32x128xf32>, vector<32x128xi32>
      }
      scf.yield %select_n3A_121, %cond3A_153#0, %cond3A_153#1, %cond3A_153#2, %cond3A_153#3, %cond3A_153#4, %cond3A_153#5, %select_n3A_124, %select_n3A_127 : vector<32x128xi32>, vector<32x128xf32>, vector<32x128xi32>, vector<32x128xf32>, vector<32x128xi32>, vector<32x128xf32>, vector<32x128xi32>, vector<32x128xf32>, vector<32x128xi32>
    }
    %scan3A_82 = arith.constant 20 : i32
    %swap3A = arith.constant 0 : index
    %swap3A_83 = arith.constant 0 : index
    %swap3A_84 = vector.load %arg5[%swap3A, %swap3A_83] : memref<32x128xi32, #tpu.memory_space<vmem>>, vector<32x128xi32>
    tpu.vector_store %arg5[%swap3A, %swap3A_83], %scan3A_81#0 {strides = array<i32>} : memref<32x128xi32, #tpu.memory_space<vmem>>, vector<32x128xi32>,
    return
  }
  func.func @transform_0(%arg0: i32) -> (i32, i32, i32) {
    %c0_i32 = arith.constant 0 : i32
    %c0_i32_0 = arith.constant 0 : i32
    %c0_i32_1 = arith.constant 0 : i32
    return %arg0, %c0_i32, %c0_i32_0 : i32, i32, i32
  }
  func.func @transform_1(%arg0: i32) -> (i32, i32, i32) {
    %c0_i32 = arith.constant 0 : i32
    %c0_i32_0 = arith.constant 0 : i32
    %c0_i32_1 = arith.constant 0 : i32
    %c0_i32_2 = arith.constant 0 : i32
    return %c0_i32, %c0_i32_0, %c0_i32_1 : i32, i32, i32
  }
  func.func @transform_2(%arg0: i32) -> (i32, i32, i32) {
    %c0_i32 = arith.constant 0 : i32
    %c0_i32_0 = arith.constant 0 : i32
    %c0_i32_1 = arith.constant 0 : i32
    %c0_i32_2 = arith.constant 0 : i32
    return %c0_i32, %c0_i32_0, %c0_i32_1 : i32, i32, i32
  }
  func.func @transform_3(%arg0: i32) -> (i32, i32, i32) {
    %c0_i32 = arith.constant 0 : i32
    %c0_i32_0 = arith.constant 0 : i32
    %c0_i32_1 = arith.constant 0 : i32
    %c0_i32_2 = arith.constant 0 : i32
    return %c0_i32, %c0_i32_0, %c0_i32_1 : i32, i32, i32
  }
  func.func @transform_4(%arg0: i32) -> (i32, i32) {
    %c0_i32 = arith.constant 0 : i32
    %c0_i32_0 = arith.constant 0 : i32
    return %arg0, %c0_i32 : i32, i32
  }
}

module attributes {stable_mosaic.version = 14 : i64} {
  func.func @_mm_body(%arg0: i32, %arg1: memref<128x128xf32, #tpu.memory_space<vmem>>, %arg2: memref<128x256xf32, #tpu.memory_space<vmem>>, %arg3: memref<128x128xf32, #tpu.memory_space<vmem>>, %arg4: memref<128x128xf32, #tpu.memory_space<vmem>>) attributes {dimension_semantics = [#tpu.dimension_semantics<arbitrary>], iteration_bounds = array<i64: 392>, scalar_prefetch = 0 : i64, scratch_operands = 0 : i64, tpu.core_type = #tpu.core_type<tc>, window_params = [{transform_indices = @transform_0, window_bounds = array<i64: 128, 128>}, {pipeline_mode = #tpu.pipeline_mode<synchronous>, transform_indices = @transform_1, window_bounds = array<i64: 128, 256>}, {transform_indices = @transform_2, window_bounds = array<i64: 128, 128>}, {transform_indices = @transform_3, window_bounds = array<i64: 128, 128>}]} {
    %get3A = arith.constant 0 : index
    %get3A_0 = arith.constant 0 : index
    %get3A_1 = vector.load %arg1[%get3A, %get3A_0] : memref<128x128xf32, #tpu.memory_space<vmem>>, vector<128x128xf32>
    %get3A_2 = arith.constant 0 : index
    %get3A_3 = arith.constant 0 : index
    %get3A_4 = vector.load %arg2[%get3A_2, %get3A_3] : memref<128x256xf32, #tpu.memory_space<vmem>>, vector<128x128xf32>
    %get3A_5 = arith.constant 0 : index
    %get3A_6 = arith.constant 128 : index
    %get3A_7 = vector.load %arg2[%get3A_5, %get3A_6] : memref<128x256xf32, #tpu.memory_space<vmem>>, vector<128x128xf32>
    %dot_general3A = arith.constant dense<0.000000e+00> : vector<128x128xf32>
    %dot_general3A_8 = tpu.matmul %get3A_1, %get3A_7, %dot_general3A {dimension_numbers = #tpu.dot_dimension_numbers<[1], [1], [0], [0], [0, 0, 1, 0], [], []>, transpose_lhs_hint = false} : vector<128x128xf32>, vector<128x128xf32>, vector<128x128xf32> -> vector<128x128xf32>
    %swap3A = arith.constant 0 : index
    %swap3A_9 = arith.constant 0 : index
    %swap3A_10 = vector.load %arg3[%swap3A, %swap3A_9] : memref<128x128xf32, #tpu.memory_space<vmem>>, vector<128x128xf32>
    tpu.vector_store %arg3[%swap3A, %swap3A_9], %dot_general3A_8 {strides = array<i32>} : memref<128x128xf32, #tpu.memory_space<vmem>>, vector<128x128xf32>,
    %sub3A = arith.subf %get3A_4, %get3A_7 : vector<128x128xf32>
    %dot_general3A_11 = arith.constant dense<0.000000e+00> : vector<128x128xf32>
    %dot_general3A_12 = tpu.matmul %get3A_1, %sub3A, %dot_general3A_11 {dimension_numbers = #tpu.dot_dimension_numbers<[1], [1], [0], [0], [0, 0, 1, 0], [], []>, transpose_lhs_hint = false} : vector<128x128xf32>, vector<128x128xf32>, vector<128x128xf32> -> vector<128x128xf32>
    %swap3A_13 = arith.constant 0 : index
    %swap3A_14 = arith.constant 0 : index
    %swap3A_15 = vector.load %arg4[%swap3A_13, %swap3A_14] : memref<128x128xf32, #tpu.memory_space<vmem>>, vector<128x128xf32>
    tpu.vector_store %arg4[%swap3A_13, %swap3A_14], %dot_general3A_12 {strides = array<i32>} : memref<128x128xf32, #tpu.memory_space<vmem>>, vector<128x128xf32>,
    return
  }
  func.func @transform_0(%arg0: i32) -> (i32, i32) {
    %c0_i32 = arith.constant 0 : i32
    %c0_i32_0 = arith.constant 0 : i32
    return %arg0, %c0_i32 : i32, i32
  }
  func.func @transform_1(%arg0: i32) -> (i32, i32) {
    %c0_i32 = arith.constant 0 : i32
    %c0_i32_0 = arith.constant 0 : i32
    %c0_i32_1 = arith.constant 0 : i32
    return %c0_i32, %c0_i32_0 : i32, i32
  }
  func.func @transform_2(%arg0: i32) -> (i32, i32) {
    %c0_i32 = arith.constant 0 : i32
    %c0_i32_0 = arith.constant 0 : i32
    return %arg0, %c0_i32 : i32, i32
  }
  func.func @transform_3(%arg0: i32) -> (i32, i32) {
    %c0_i32 = arith.constant 0 : i32
    %c0_i32_0 = arith.constant 0 : i32
    return %arg0, %c0_i32 : i32, i32
  }
}

module attributes {stable_mosaic.version = 14 : i64} {
  func.func @_edge_body(%arg0: i32, %arg1: memref<2560x128xf32, #tpu.memory_space<vmem>>, %arg2: memref<128x128xf32, #tpu.memory_space<vmem>>, %arg3: memref<1x128xf32, #tpu.memory_space<vmem>>, %arg4: memref<128x128xf32, #tpu.memory_space<vmem>>, %arg5: memref<128x128xf32, #tpu.memory_space<vmem>>, %arg6: memref<8x128xf32, #tpu.memory_space<vmem>>, %arg7: memref<8x128xf32, #tpu.memory_space<vmem>>, %arg8: memref<8x128xf32, #tpu.memory_space<vmem>>, %arg9: memref<8x128xf32, #tpu.memory_space<vmem>>) attributes {dimension_semantics = [#tpu.dimension_semantics<arbitrary>], iteration_bounds = array<i64: 10>, scalar_prefetch = 0 : i64, scratch_operands = 2 : i64, tpu.core_type = #tpu.core_type<tc>, window_params = [{transform_indices = @transform_0, window_bounds = array<i64: 2560, 128>}, {transform_indices = @transform_1, window_bounds = array<i64: 128, 128>}, {pipeline_mode = #tpu.pipeline_mode<synchronous>, transform_indices = @transform_2, window_bounds = array<i64: 1, 128>}, {transform_indices = @transform_3, window_bounds = array<i64: 128, 128>}, {transform_indices = @transform_4, window_bounds = array<i64: 128, 128>}, {pipeline_mode = #tpu.pipeline_mode<synchronous>, transform_indices = @transform_5, window_bounds = array<i64: 8, 128>}, {pipeline_mode = #tpu.pipeline_mode<synchronous>, transform_indices = @transform_6, window_bounds = array<i64: 8, 128>}]} {
    %eq3A = arith.constant 0 : i32
    %eq3A_0 = arith.cmpi eq, %arg0, %eq3A : i32
    %convert_element_type3A = arith.extui %eq3A_0 : i1 to i32
    %cond3A = arith.constant 0 : i32
    %cond3A_1 = arith.cmpi ne, %convert_element_type3A, %cond3A : i32
    scf.if %cond3A_1 {
      %broadcast_in_dim3A = arith.constant 0.000000e+00 : f32
      %broadcast_in_dim3A_13 = vector.broadcast %broadcast_in_dim3A : f32 to vector<8x128xf32>
      %swap3A = arith.constant 0 : index
      %swap3A_14 = arith.constant 0 : index
      %swap3A_15 = vector.load %arg8[%swap3A, %swap3A_14] : memref<8x128xf32, #tpu.memory_space<vmem>>, vector<8x128xf32>
      tpu.vector_store %arg8[%swap3A, %swap3A_14], %broadcast_in_dim3A_13 {strides = array<i32>} : memref<8x128xf32, #tpu.memory_space<vmem>>, vector<8x128xf32>,
      %broadcast_in_dim3A_16 = arith.constant 0.000000e+00 : f32
      %broadcast_in_dim3A_17 = vector.broadcast %broadcast_in_dim3A_16 : f32 to vector<8x128xf32>
      %swap3A_18 = arith.constant 0 : index
      %swap3A_19 = arith.constant 0 : index
      %swap3A_20 = vector.load %arg9[%swap3A_18, %swap3A_19] : memref<8x128xf32, #tpu.memory_space<vmem>>, vector<8x128xf32>
      tpu.vector_store %arg9[%swap3A_18, %swap3A_19], %broadcast_in_dim3A_17 {strides = array<i32>} : memref<8x128xf32, #tpu.memory_space<vmem>>, vector<8x128xf32>,
    } else {
    }
    %get3A = arith.constant 0 : index
    %get3A_2 = arith.constant 0 : index
    %get3A_3 = vector.load %arg3[%get3A, %get3A_2] : memref<1x128xf32, #tpu.memory_space<vmem>>, vector<1x128xf32>
    %scan3A = arith.constant 0 : i32
    %scan3A_4 = arith.constant 128 : i32
    %scan3A_5 = arith.addi %scan3A, %scan3A_4 : i32
    %scan3A_6 = arith.constant 1 : i32
    scf.for %scan3A_13 = %scan3A to %scan3A_5 step %scan3A_6  : i32 {
      %mul3A = arith.constant 20 : i32
      %mul3A_14 = arith.muli %scan3A_13, %mul3A : i32
      %get3A_15 = arith.index_cast %mul3A_14 : i32 to index
      %get3A_16 = arith.constant 0 : index
      %get3A_17 = vector.load %arg1[%get3A_15, %get3A_16] : memref<2560x128xf32, #tpu.memory_space<vmem>>, vector<20x128xf32>
      %get3A_18 = arith.index_cast %scan3A_13 : i32 to index
      %get3A_19 = arith.constant 0 : index
      %get3A_20 = vector.load %arg2[%get3A_18, %get3A_19] : memref<128x128xf32, #tpu.memory_space<vmem>>, vector<1x128xf32>
      %add3A = vector.broadcast %get3A_20 : vector<1x128xf32> to vector<20x128xf32>
      %add3A_21 = arith.addf %get3A_17, %add3A : vector<20x128xf32>
      %add3A_22 = vector.broadcast %get3A_3 : vector<1x128xf32> to vector<20x128xf32>
      %add3A_23 = arith.addf %add3A_21, %add3A_22 : vector<20x128xf32>
      %max3A = arith.constant 0.000000e+00 : f32
      %max3A_24 = vector.broadcast %max3A : f32 to vector<20x128xf32>
      %max3A_25 = arith.maximumf %add3A_23, %max3A_24 : vector<20x128xf32>
      %reduce_max3A = arith.constant dense<0xFF800000> : vector<128xf32>
      %reduce_max3A_26 = vector.multi_reduction <maximumf>, %max3A_25, %reduce_max3A [0] : vector<20x128xf32> to vector<128xf32>
      %broadcast_in_dim3A = vector.shape_cast %reduce_max3A_26 : vector<128xf32> to vector<1x128xf32>
      %swap3A = arith.index_cast %scan3A_13 : i32 to index
      %swap3A_27 = arith.constant 0 : index
      %swap3A_28 = vector.load %arg4[%swap3A, %swap3A_27] : memref<128x128xf32, #tpu.memory_space<vmem>>, vector<1x128xf32>
      tpu.vector_store %arg4[%swap3A, %swap3A_27], %broadcast_in_dim3A {strides = array<i32>} : memref<128x128xf32, #tpu.memory_space<vmem>>, vector<1x128xf32>,
      %reduce_min3A = arith.constant dense<0x7F800000> : vector<128xf32>
      %reduce_min3A_29 = vector.multi_reduction <minimumf>, %max3A_25, %reduce_min3A [0] : vector<20x128xf32> to vector<128xf32>
      %broadcast_in_dim3A_30 = vector.shape_cast %reduce_min3A_29 : vector<128xf32> to vector<1x128xf32>
      %swap3A_31 = arith.index_cast %scan3A_13 : i32 to index
      %swap3A_32 = arith.constant 0 : index
      %swap3A_33 = vector.load %arg5[%swap3A_31, %swap3A_32] : memref<128x128xf32, #tpu.memory_space<vmem>>, vector<1x128xf32>
      tpu.vector_store %arg5[%swap3A_31, %swap3A_32], %broadcast_in_dim3A_30 {strides = array<i32>} : memref<128x128xf32, #tpu.memory_space<vmem>>, vector<1x128xf32>,
      %mul3A_34 = arith.constant 128 : i32
      %mul3A_35 = arith.muli %arg0, %mul3A_34 : i32
      %add3A_36 = arith.addi %mul3A_35, %scan3A_13 : i32
      %lt3A = arith.constant 1250 : i32
      %lt3A_37 = arith.cmpi slt, %add3A_36, %lt3A : i32
      %reduce_sum3A = arith.constant dense<0.000000e+00> : vector<128xf32>
      %reduce_sum3A_38 = vector.multi_reduction <add>, %max3A_25, %reduce_sum3A [0] : vector<20x128xf32> to vector<128xf32>
      %broadcast_in_dim3A_39 = vector.shape_cast %reduce_sum3A_38 : vector<128xf32> to vector<1x128xf32>
      %mul3A_40 = arith.mulf %max3A_25, %max3A_25 : vector<20x128xf32>
      %reduce_sum3A_41 = arith.constant dense<0.000000e+00> : vector<128xf32>
      %reduce_sum3A_42 = vector.multi_reduction <add>, %mul3A_40, %reduce_sum3A_41 [0] : vector<20x128xf32> to vector<128xf32>
      %broadcast_in_dim3A_43 = vector.shape_cast %reduce_sum3A_42 : vector<128xf32> to vector<1x128xf32>
      %broadcast_in_dim3A_44 = arith.constant 0.000000e+00 : f32
      %broadcast_in_dim3A_45 = vector.broadcast %broadcast_in_dim3A_44 : f32 to vector<1x128xf32>
      %get3A_46 = arith.constant 0 : index
      %get3A_47 = arith.constant 0 : index
      %get3A_48 = vector.load %arg8[%get3A_46, %get3A_47] : memref<8x128xf32, #tpu.memory_space<vmem>>, vector<1x128xf32>
      %select_n3A = arith.select %lt3A_37, %broadcast_in_dim3A_39, %broadcast_in_dim3A_45 : vector<1x128xf32>
      %add3A_49 = arith.addf %get3A_48, %select_n3A : vector<1x128xf32>
      %swap3A_50 = arith.constant 0 : index
      %swap3A_51 = arith.constant 0 : index
      %swap3A_52 = vector.load %arg8[%swap3A_50, %swap3A_51] : memref<8x128xf32, #tpu.memory_space<vmem>>, vector<1x128xf32>
      tpu.vector_store %arg8[%swap3A_50, %swap3A_51], %add3A_49 {strides = array<i32>} : memref<8x128xf32, #tpu.memory_space<vmem>>, vector<1x128xf32>,
      %get3A_53 = arith.constant 0 : index
      %get3A_54 = arith.constant 0 : index
      %get3A_55 = vector.load %arg9[%get3A_53, %get3A_54] : memref<8x128xf32, #tpu.memory_space<vmem>>, vector<1x128xf32>
      %select_n3A_56 = arith.select %lt3A_37, %broadcast_in_dim3A_43, %broadcast_in_dim3A_45 : vector<1x128xf32>
      %add3A_57 = arith.addf %get3A_55, %select_n3A_56 : vector<1x128xf32>
      %swap3A_58 = arith.constant 0 : index
      %swap3A_59 = arith.constant 0 : index
      %swap3A_60 = vector.load %arg9[%swap3A_58, %swap3A_59] : memref<8x128xf32, #tpu.memory_space<vmem>>, vector<1x128xf32>
      tpu.vector_store %arg9[%swap3A_58, %swap3A_59], %add3A_57 {strides = array<i32>} : memref<8x128xf32, #tpu.memory_space<vmem>>, vector<1x128xf32>,
    }
    %scan3A_7 = arith.constant 128 : i32
    %eq3A_8 = arith.constant 9 : i32
    %eq3A_9 = arith.cmpi eq, %arg0, %eq3A_8 : i32
    %convert_element_type3A_10 = arith.extui %eq3A_9 : i1 to i32
    %cond3A_11 = arith.constant 0 : i32
    %cond3A_12 = arith.cmpi ne, %convert_element_type3A_10, %cond3A_11 : i32
    scf.if %cond3A_12 {
      %get3A_13 = arith.constant 0 : index
      %get3A_14 = arith.constant 0 : index
      %get3A_15 = vector.load %arg8[%get3A_13, %get3A_14] : memref<8x128xf32, #tpu.memory_space<vmem>>, vector<8x128xf32>
      %swap3A = arith.constant 0 : index
      %swap3A_16 = arith.constant 0 : index
      %swap3A_17 = vector.load %arg6[%swap3A, %swap3A_16] : memref<8x128xf32, #tpu.memory_space<vmem>>, vector<8x128xf32>
      tpu.vector_store %arg6[%swap3A, %swap3A_16], %get3A_15 {strides = array<i32>} : memref<8x128xf32, #tpu.memory_space<vmem>>, vector<8x128xf32>,
      %get3A_18 = arith.constant 0 : index
      %get3A_19 = arith.constant 0 : index
      %get3A_20 = vector.load %arg9[%get3A_18, %get3A_19] : memref<8x128xf32, #tpu.memory_space<vmem>>, vector<8x128xf32>
      %swap3A_21 = arith.constant 0 : index
      %swap3A_22 = arith.constant 0 : index
      %swap3A_23 = vector.load %arg7[%swap3A_21, %swap3A_22] : memref<8x128xf32, #tpu.memory_space<vmem>>, vector<8x128xf32>
      tpu.vector_store %arg7[%swap3A_21, %swap3A_22], %get3A_20 {strides = array<i32>} : memref<8x128xf32, #tpu.memory_space<vmem>>, vector<8x128xf32>,
    } else {
    }
    return
  }
  func.func @transform_0(%arg0: i32) -> (i32, i32) {
    %c0_i32 = arith.constant 0 : i32
    %c0_i32_0 = arith.constant 0 : i32
    return %arg0, %c0_i32 : i32, i32
  }
  func.func @transform_1(%arg0: i32) -> (i32, i32) {
    %c0_i32 = arith.constant 0 : i32
    %c0_i32_0 = arith.constant 0 : i32
    return %arg0, %c0_i32 : i32, i32
  }
  func.func @transform_2(%arg0: i32) -> (i32, i32) {
    %c0_i32 = arith.constant 0 : i32
    %c0_i32_0 = arith.constant 0 : i32
    %c0_i32_1 = arith.constant 0 : i32
    return %c0_i32, %c0_i32_0 : i32, i32
  }
  func.func @transform_3(%arg0: i32) -> (i32, i32) {
    %c0_i32 = arith.constant 0 : i32
    %c0_i32_0 = arith.constant 0 : i32
    return %arg0, %c0_i32 : i32, i32
  }
  func.func @transform_4(%arg0: i32) -> (i32, i32) {
    %c0_i32 = arith.constant 0 : i32
    %c0_i32_0 = arith.constant 0 : i32
    return %arg0, %c0_i32 : i32, i32
  }
  func.func @transform_5(%arg0: i32) -> (i32, i32) {
    %c0_i32 = arith.constant 0 : i32
    %c0_i32_0 = arith.constant 0 : i32
    %c0_i32_1 = arith.constant 0 : i32
    return %c0_i32, %c0_i32_0 : i32, i32
  }
  func.func @transform_6(%arg0: i32) -> (i32, i32) {
    %c0_i32 = arith.constant 0 : i32
    %c0_i32_0 = arith.constant 0 : i32
    %c0_i32_1 = arith.constant 0 : i32
    return %c0_i32, %c0_i32_0 : i32, i32
  }
}

module attributes {stable_mosaic.version = 14 : i64} {
  func.func @_norm_body(%arg0: memref<1280x128xf32, #tpu.memory_space<vmem>>, %arg1: memref<1280x128xf32, #tpu.memory_space<vmem>>, %arg2: memref<8x128xf32, #tpu.memory_space<vmem>>, %arg3: memref<8x128xf32, #tpu.memory_space<vmem>>, %arg4: memref<1x128xf32, #tpu.memory_space<vmem>>, %arg5: memref<1x128xf32, #tpu.memory_space<vmem>>, %arg6: memref<1280x128xf32, #tpu.memory_space<vmem>>) attributes {dimension_semantics = [], scalar_prefetch = 0 : i64, scratch_operands = 0 : i64, tpu.core_type = #tpu.core_type<tc>} {
    %get3A = arith.constant 0 : index
    %get3A_0 = arith.constant 0 : index
    %get3A_1 = vector.load %arg2[%get3A, %get3A_0] : memref<8x128xf32, #tpu.memory_space<vmem>>, vector<1x128xf32>
    %div3A = arith.constant 2.500000e+04 : f32
    %div3A_2 = vector.broadcast %div3A : f32 to vector<1x128xf32>
    %div3A_3 = arith.divf %get3A_1, %div3A_2 : vector<1x128xf32>
    %get3A_4 = arith.constant 0 : index
    %get3A_5 = arith.constant 0 : index
    %get3A_6 = vector.load %arg3[%get3A_4, %get3A_5] : memref<8x128xf32, #tpu.memory_space<vmem>>, vector<1x128xf32>
    %div3A_7 = arith.constant 2.500000e+04 : f32
    %div3A_8 = vector.broadcast %div3A_7 : f32 to vector<1x128xf32>
    %div3A_9 = arith.divf %get3A_6, %div3A_8 : vector<1x128xf32>
    %mul3A = arith.mulf %div3A_3, %div3A_3 : vector<1x128xf32>
    %sub3A = arith.subf %div3A_9, %mul3A : vector<1x128xf32>
    %add3A = arith.constant 9.99999974E-6 : f32
    %add3A_10 = vector.broadcast %add3A : f32 to vector<1x128xf32>
    %add3A_11 = arith.addf %sub3A, %add3A_10 : vector<1x128xf32>
    %sqrt3A = math.sqrt %add3A_11 : vector<1x128xf32>
    %get3A_12 = arith.constant 0 : index
    %get3A_13 = arith.constant 0 : index
    %get3A_14 = vector.load %arg4[%get3A_12, %get3A_13] : memref<1x128xf32, #tpu.memory_space<vmem>>, vector<1x128xf32>
    %get3A_15 = arith.constant 0 : index
    %get3A_16 = arith.constant 0 : index
    %get3A_17 = vector.load %arg5[%get3A_15, %get3A_16] : memref<1x128xf32, #tpu.memory_space<vmem>>, vector<1x128xf32>
    %ge3A = arith.constant 0.000000e+00 : f32
    %ge3A_18 = vector.broadcast %ge3A : f32 to vector<1x128xf32>
    %ge3A_19 = arith.cmpf oge, %get3A_14, %ge3A_18 : vector<1x128xf32>
    %get3A_20 = arith.constant 0 : index
    %get3A_21 = arith.constant 0 : index
    %get3A_22 = vector.load %arg0[%get3A_20, %get3A_21] : memref<1280x128xf32, #tpu.memory_space<vmem>>, vector<1280x128xf32>
    %get3A_23 = arith.constant 0 : index
    %get3A_24 = arith.constant 0 : index
    %get3A_25 = vector.load %arg1[%get3A_23, %get3A_24] : memref<1280x128xf32, #tpu.memory_space<vmem>>, vector<1280x128xf32>
    %broadcast_in_dim3A = vector.shape_cast %ge3A_19 : vector<1x128xi1> to vector<1x128xi1>
    %broadcast_in_dim3A_26 = vector.broadcast %broadcast_in_dim3A : vector<1x128xi1> to vector<1280x128xi1>
    %select_n3A = arith.select %broadcast_in_dim3A_26, %get3A_22, %get3A_25 : vector<1280x128xi1>, vector<1280x128xf32>
    %sub3A_27 = vector.broadcast %div3A_3 : vector<1x128xf32> to vector<1280x128xf32>
    %sub3A_28 = arith.subf %select_n3A, %sub3A_27 : vector<1280x128xf32>
    %div3A_29 = vector.broadcast %sqrt3A : vector<1x128xf32> to vector<1280x128xf32>
    %div3A_30 = arith.divf %sub3A_28, %div3A_29 : vector<1280x128xf32>
    %mul3A_31 = vector.broadcast %get3A_14 : vector<1x128xf32> to vector<1280x128xf32>
    %mul3A_32 = arith.mulf %div3A_30, %mul3A_31 : vector<1280x128xf32>
    %add3A_33 = vector.broadcast %get3A_17 : vector<1x128xf32> to vector<1280x128xf32>
    %add3A_34 = arith.addf %mul3A_32, %add3A_33 : vector<1280x128xf32>
    %swap3A = arith.constant 0 : index
    %swap3A_35 = arith.constant 0 : index
    %swap3A_36 = vector.load %arg6[%swap3A, %swap3A_35] : memref<1280x128xf32, #tpu.memory_space<vmem>>, vector<1280x128xf32>
    tpu.vector_store %arg6[%swap3A, %swap3A_35], %add3A_34 {strides = array<i32>} : memref<1280x128xf32, #tpu.memory_space<vmem>>, vector<1280x128xf32>,
    return
  }
}

</mosaic_0001>

<sc_bundles>
// kernel: kernel.8.cloned.1.call-start
scs
__scs_entry_jumppad:
0x0: {  	(pc) =	sbr.rel $0x88, $3  }
0x1: {  	(tag) =	ssettag $0x0;
	lr =	simm.s32 $0x1  }
0x2: {  	[smem:$0x3F9B] =	sst lr;
	_ =	strace $0xD0000000  }
0x3: {  	_ = 	snop  }
0x4: {  	_ = 	snop  }
0x5: {  	_ = 	snop  }
0x6: {  	_ = 	snop  }
0x7: {  	_ = 	snop  }
__scs_overlays_trampoline_lowered:
0x8: {  	[smem:$0x3FAA] =	sst s0  }
0x9: {  	[smem:$0x3FAB] =	sst s1  }
0xa: {  	[smem:$0x3FAC] =	sst s2  }
0xb: {  	[smem:$0x3FAD] =	sst s3  }
0xc: {  	[smem:$0x3FAE] =	sst s4  }
0xd: {  	[smem:$0x3FAF] =	sst s5  }
0xe: {  	[smem:$0x3FB0] =	sst s6  }
0xf: {  	[smem:$0x3FB1] =	sst s7  }
0x10: {  	[smem:$0x3FB2] =	sst s8  }
0x11: {  	[smem:$0x3FB3] =	sst s9;
	s0 =	simm.s32 @!p0 $0x0  }
0x12: {  	s1 =	sld [smem:$0x3F99];
	s0 =	simm.s32 @p0 $0x1  }
0x13: {  	[smem:$0x3FB4] =	sst s0;
	s0 =	simm.s32 @!p1 $0x0  }
0x14: {  	s2 =	sld [smem:$0x3F98];
	s0 =	simm.s32 @p1 $0x1  }
0x15: {  	[smem:$0x3FB5] =	sst s0;
	s0 =	simm.s32 @!p2 $0x0  }
0x16: {  	s3 =	sld [smem:$0x3FDB];
	s0 =	simm.s32 @p2 $0x1  }
0x17: {  	s4 =	simm.s32 $0x1BF5;
	[smem:$0x3FB7] =	sst s0  }
0x18: {  	s0 =	sld [smem:$0x3F9A];
	_ =	swait.ge [sflag:s4], $0x0  }
0x19: {  	s7 =	sld [smem:$0x3F9B]  }
0x1a: {  	s8 =	sadd.s32 $0xFFFFE003, lr  }
0x1b: {  	s9 =	sadd.s32 $0xFFFFFEF7, lr;
	s5 =	simm.s32 $0xFFFFFFFF;
	p2 =	slt.u32 s8, $0xFFFFF086  }
0x1c: {  	p1 =	slt.u32 s9, $0xF7A;
	s5 =	simm.s32 @!p2 $0x0  }
0x1d: {  	s5 =	simm.s32 @p1 $0x1;
	p0 =	seq.s32 s7, s2  }
0x1e: {  	s7 =	smul.u32 @!p0 $0xF7A, s2;
	p2 =	seq.s32 @!p0 s5, $0x0  }
0x1f: {  	s9 =	smul.u32 $0xF7A, s1;
	s8 =	simm.s32 @!p0 $0x1BF5;
	p2 =	por !p2, p0  }
0x20: {  	[sflag:s8] =	ssyncset.s32 @!p0 $0xFFFFF086;
	s6 =	sadd.s32 @!p0 s3, s7;
	s7 =	simm.s32 @!p0 $0x108  }
0x21: {  	s3 =	sadd.s32 s3, s9;
	s6 =	sadd.s32 @!p0 $0x88, s6;
	s7 =	simm.s32 @p2 $0x1082  }
0x22: {  	[simem:s7], [sflag:s8] =	dma.local @!p0 [hbm:s6], $0xF7A  }
0x23: {  	s9 =	sor.u32 $0xD0000000, s2;
	s6 =	simm.s32 $0x108;
	_ =	swait.ge @!p0 [sflag:s8], $0x0  }
0x24: {  	s3 =	sadd.s32 $0x88, s3;
	s6 =	simm.s32 @!p1 $0x1082;
	[sflag:s4] =	ssyncset.s32 $0xFFFFF086  }
0x25: {  	[simem:s6], [sflag:s4] =	dma.local [hbm:s3], $0xF7A  }
0x26: {  	[smem:$0x3F9B] =	sst s1;
	(tag) =	ssettag s2;
	_ =	strace s9  }
0x27: {  	s1 =	sld [smem:$0x3FAB]  }
0x28: {  	s2 =	sld [smem:$0x3FAC]  }
0x29: {  	s4 =	sld [smem:$0x3FAE]  }
0x2a: {  	p0 =	seq.s32 s5, $0x0;
	s5 =	sld [smem:$0x3FAF]  }
0x2b: {  	s6 =	sld [smem:$0x3FB0]  }
0x2c: {  	s7 =	sld [smem:$0x3FB1]  }
0x2d: {  	s3 =	simm.s32 $0x108;
	s8 =	sld [smem:$0x3FB2]  }
0x2e: {  	s3 =	simm.s32 @!p0 $0x1082;
	s9 =	sld [smem:$0x3FB3]  }
0x2f: {  	lr =	sadd.s32 s0, s3;
	s0 =	sld [smem:$0x3FAA]  }
0x30: {  	s3 =	sld [smem:$0x3FAD]  }
0x31: {  	[smem:$0x3FB6] =	sst s10  }
0x32: {  	s10 =	sld [smem:$0x3FB4];
	_ =	sdelay $0x3  }
0x33: {  	p0 =	seq.s32 s10, $0x1;
	s10 =	sld [smem:$0x3FB6];
	_ =	sdelay $0x3  }
0x34: {  	[smem:$0x3FB6] =	sst s10  }
0x35: {  	s10 =	sld [smem:$0x3FB5];
	_ =	sdelay $0x3  }
0x36: {  	p1 =	seq.s32 s10, $0x1;
	s10 =	sld [smem:$0x3FB6];
	_ =	sdelay $0x3  }
0x37: {  	[smem:$0x3FB6] =	sst s10  }
0x38: {  	s10 =	sld [smem:$0x3FB7]  }
0x39: {  	_ = 	snop;
	(pc) =	sbr.ind lr, $3  }
0x3a: {  	_ = 	snop  }
0x3b: {  	_ = 	snop  }
0x3c: {  	p2 =	seq.s32 s10, $0x1;
	s10 =	sld [smem:$0x3FB6]  }
0x3d: {  	_ =	shalt  }
0x3e: {  	_ =	shalt  }
0x3f: {  	_ =	shalt  }
0x40: {  	_ =	shalt  }
0x41: {  	_ =	shalt  }
0x42: {  	_ =	shalt  }
0x43: {  	_ =	shalt  }
0x44: {  	_ =	shalt  }
0x45: {  	_ =	shalt  }
0x46: {  	_ =	shalt  }
0x47: {  	_ =	shalt  }
0x48: {  	_ =	shalt  }
0x49: {  	_ =	shalt  }
0x4a: {  	_ =	shalt  }
0x4b: {  	_ =	shalt  }
0x4c: {  	_ =	shalt  }
0x4d: {  	_ =	shalt  }
0x4e: {  	_ =	shalt  }
0x4f: {  	_ =	shalt  }
0x50: {  	_ =	shalt  }
0x51: {  	_ =	shalt  }
0x52: {  	_ =	shalt  }
0x53: {  	_ =	shalt  }
0x54: {  	_ =	shalt  }
0x55: {  	_ =	shalt  }
0x56: {  	_ =	shalt  }
0x57: {  	_ =	shalt  }
0x58: {  	_ =	shalt  }
0x59: {  	_ =	shalt  }
0x5a: {  	_ =	shalt  }
0x5b: {  	_ =	shalt  }
0x5c: {  	_ =	shalt  }
0x5d: {  	_ =	shalt  }
0x5e: {  	_ =	shalt  }
0x5f: {  	_ =	shalt  }
0x60: {  	_ =	shalt  }
0x61: {  	_ =	shalt  }
0x62: {  	_ =	shalt  }
0x63: {  	_ =	shalt  }
0x64: {  	_ =	shalt  }
0x65: {  	_ =	shalt  }
0x66: {  	_ =	shalt  }
0x67: {  	_ =	shalt  }
0x68: {  	_ =	shalt  }
0x69: {  	_ =	shalt  }
0x6a: {  	_ =	shalt  }
0x6b: {  	_ =	shalt  }
0x6c: {  	_ =	shalt  }
0x6d: {  	_ =	shalt  }
0x6e: {  	_ =	shalt  }
0x6f: {  	_ =	shalt  }
0x70: {  	_ =	shalt  }
0x71: {  	_ =	shalt  }
0x72: {  	_ =	shalt  }
0x73: {  	_ =	shalt  }
0x74: {  	_ =	shalt  }
0x75: {  	_ =	shalt  }
0x76: {  	_ =	shalt  }
0x77: {  	_ =	shalt  }
0x78: {  	_ =	shalt  }
0x79: {  	_ =	shalt  }
0x7a: {  	_ =	shalt  }
0x7b: {  	_ =	shalt  }
0x7c: {  	_ =	shalt  }
0x7d: {  	_ =	shalt  }
0x7e: {  	_ =	shalt  }
0x7f: {  	_ =	shalt  }
0x80: {  	_ =	shalt  }
0x81: {  	_ =	shalt  }
0x82: {  	_ =	shalt  }
0x83: {  	_ =	shalt  }
0x84: {  	_ =	shalt  }
0x85: {  	_ =	shalt  }
0x86: {  	_ =	shalt  }
0x87: {  	_ =	shalt  }
.Lfunc_end0:
.L_simem_size_0:
called_computation_lowered:
.L_overlay_start_0:
0x88: {  	s2 =	sld [smem:$0x3FD9]  }
0x89: {  	s3 =	sld [smem:$0x3FFE];
	_ =	sdelay $0x1  }
0x8a: {  	s1 =	srdreg.scid  }
0x8b: {  	s0 =	sand.u32 $0x1, s1  }
0x8c: {  	s17 =	sshll.u32 s0, $0xA;
	s2 =	sadd.s32 s3, s2  }
0x8d: {  	s2 =	sadd.s32 s2, s17  }
0x8e: {  	[smem:$0x3FC2] =	sst s2  }
0x8f: {  	_ = 	snop  }
0x90: {  	s2 =	sld [smem:$0x3FD0];
	(tm) =	ssettm $0x1  }
0x91: {  	s18 =	sld [smem:$0x3FFB];
	_ =	sdelay $0x3  }
0x92: {  	_ =	strace s18  }
0x93: {  	s3 =	sld [smem:$0x3FFC];
	_ =	sdelay $0x3  }
0x94: {  	_ =	strace s3  }
0x95: {  	s3 =	sld [smem:$0x3FFD];
	_ =	sdelay $0x3  }
0x96: {  	_ =	strace s3  }
0x97: {  	_ =	strace $0x8FFFFFFF  }
0x98: {  	s19 =	sld [smem:$0x3FDB];
	_ =	sdelay $0x1  }
0x99: {  	s4 =	simm.s32 $_scs_section_size  }
0x9a: {  	s5 =	simm.s32 $_size__tile_overlayer_lowered;
	s6 =	simm.s32 $_tile_overlayer_lowered  }
0x9b: {  	s22 =	simm.s32 $0x1BFF;
	s21 =	sshll.u32 s6, $0x1;
	s3 =	sadd.s32 s4, s19  }
0x9c: {  	s7 =	simm.s32 $0x0;
	s20 =	sshll.u32 s5, $0x1;
	s5 =	sadd.s32 s21, s3  }
0x9d: {  	[timem:s7], [sflag:s22] =	dma.local [hbm:s5], s20  }
0x9e: {  	_ =	swait.ge [sflag:s22], s20  }
0x9f: {  	s4 =	ssub.s32 $0x0, s20;
	[sflag:s22] =	ssyncset.done $0x0  }
0xa0: {  	[sflag:s22] =	ssyncadd.s32 s4;
	_ =	sdelay $0x1  }
0xa1: {  	s23 =	simm.s32 $0x1B8B  }
0xa2: {  	_ =	swait.ge [sflag:s23], $0x1  }
0xa3: {  	[sflag:s23] =	ssyncset.done $0x0  }
0xa4: {  	s25 =	simm.s32 $0x1B8E;
	s24 =	sld [smem:$0x3FFE];
	[sflag:s23] =	ssyncadd.s32 $0xFFFFFFFF  }
0xa5: {  	s26 =	simm.s32 $execute0_lowered;
	[smem:$0x3FD2] =	sst s25  }
0xa6: {  	s5 =	sshll.u32 s26, $0x1;
	_ =	strace $0x80000046;
	[dreg:$0x1] =	wrdreg $0xFFFFFFFF  }
0xa7: {  	s28 =	simm.s32 $_size_execute0_lowered;
	s3 =	sadd.s32 s3, s5;
	[dreg:$0x0] =	wrdreg $0x0  }
0xa8: {  	s5 =	sshll.u32 s28, $0x1;
	[dreg:$0x2] =	wrdreg s3  }
0xa9: {  	[dreg:$0x3] =	wrdreg s5  }
0xaa: {  	[dreg:$0x4] =	wrdreg $0xC0  }
0xab: {  	_ =	task [dreg:s7], $0x5FFFF  }
0xac: {  	[dreg:$0x1] =	wrdreg $0xFFFFFFFF  }
0xad: {  	[dreg:$0x0] =	wrdreg $0x60  }
0xae: {  	[dreg:$0x2] =	wrdreg s24  }
0xaf: {  	[dreg:$0x3] =	wrdreg s2  }
0xb0: {  	[dreg:$0x4] =	wrdreg $0x9  }
0xb1: {  	_ =	task.clear_ibuf [dreg:s7], $0x5FFFF;
	_ =	strace $0x90000046  }
0xb2: {  	s29 =	simm.s32 $0x9;
	_ =	strace $0x80000048  }
0xb3: {  	_ =	swait.ge [sflag:s29], $0x1  }
0xb4: {  	[sflag:s29] =	ssyncadd.s32 $0xFFFFFFFF  }
0xb5: {  	_ =	strace $0x90000048  }
0xb6: {  	_ =	sfence  }
0xb7: {  	s30 =	sld [smem:$0x0];
	_ =	sdelay $0x2  }
0xb8: {  	s31 =	sshll.u32 s1, $0xD;
	s1 =	sshrl.u32 s1, $0x2  }
0xb9: {  	s3 =	sand.u32 $0x4000, s31;
	s1 =	sadd.s32 s1, s30  }
0xba: {  	s0 =	sor.u32 s3, s0;
	s1 =	sshll.u32 s1, $0x11  }
0xbb: {  	s0 =	sor.u32 s1, s0  }
0xbc: {  	s0 =	sadd.s32 $0x8F2B, s0  }
0xbd: {  	[sflag:s0] =	ssyncadd.remote.s32 $0x1  }
0xbe: {  	_ =	sfence.sel $0xFFFF  }
0xbf: {  	[dreg:$0x0] =	wrdreg $0xFFFFFFFF;
	(pc) =	sbr.abs _section_cstart, $3  }
0xc0: {  	[dreg:$0x1] =	wrdreg $0xFFFFFFFF  }
0xc1: {  	_ =	task.clear_ibuf [dreg:s7], $0x2FFFF;
	_ =	strace $0x9FFFFFFF  }
0xc2: {  	(tm) =	ssettm $0x7FFFFFFF  }
0xc3: {  	_ =	shalt  }
tec
execute0_lowered:
.L_overlay_start_1:
0x0: {  	(tag) =	ssettag $0x1  }
0x1: {  	s1 =	srdreg.scid;
	s0 =	stileid.u32  }
0x2: {  	s15 =	rddreg [dreg:$0x0];
	s13 =	sand.u32 $0x1, s1;
	s30 =	sshll.u32 s0, $0x1  }
0x3: {  	s3 =	rddreg [dreg:$0x1];
	s14 =	sor.u32 s13, s30  }
0x4: {  	s2 =	simm.s32 $0x0;
	s1 =	rddreg [dreg:$0x2];
	s4 =	smul.u32 $0x64, s14  }
0x5: {  	[smem:$0x7FF] =	sst s2  }
0x6: {  	_ =	strace $0x80000047;
	s4 =	sadd.s32 s3, s4;
	s3 =	simm.s32 $0x2  }
0x7: {  	[tilespmem:s2], [sflag:$0x2] =	stream.linear.gather [hbm4b:s4+s2], $0x320, $0x38;
	[tilespmem:$0x1A800] =	vst v63  }
0x8: {  	s6 =	simm.s32 $0x320;
	_ =	swait.ge [sflag:s3], $0x320  }
0x9: {  	s7 =	simm.s32 $0x380;
	s8 =	simm.s32 $0x1;
	[sflag:s3] =	ssyncset.done $0x0  }
0xa: {  	s5 =	sadd.s32 $0xC4C00, s15;
	s9 =	smul.u32 $0x3200, s14;
	[sflag:s3] =	ssyncadd.s32 $0xFFFFFCE0  }
0xb: {  	[tilespmem:s7], [sflag:$0x1] =	stream.indirect.gather [hbm4b:s5+s6], $0x80, s2, s6, $0xb8;
	[tilespmem:$0x1A800] =	vst v63  }
0xc: {  	_ =	swait.ge [sflag:s8], $0x19000  }
0xd: {  	s9 =	sadd.s32 s9, s15;
	[sflag:s8] =	ssyncset.done $0x0  }
0xe: {  	s10 =	smul.u32 $0x5, s14;
	s9 =	sadd.s32 $0xC00, s9;
	[sflag:s8] =	ssyncadd.s32 $0xFFFE7000  }
0xf: {  	[hbm4b:s9+s2] =	stream.linear.scatter [tilespmem:s7], [sflag:$0x2], $0x19000, $0x38;
	[tilespmem:$0x1A800] =	vst v63  }
0x10: {  	s11 =	simm.s32 $0x19380;
	s12 =	sadd.s32 $0x188C00, s15;
	_ =	swait.ge [sflag:s3], $0x19000  }
0x11: {  	s17 =	ssub.s32 $0x2, s13;
	s10 =	sadd.s32 s10, s15;
	[sflag:s3] =	ssyncset.done $0x0  }
0x12: {  	s13 =	simm.s32 $0x28;
	s10 =	sadd.s32 $0xA00, s10;
	[sflag:s3] =	ssyncadd.s32 $0xFFFE7000  }
0x13: {  	[tilespmem:s11], [sflag:$0x2] =	stream.linear.gather [hbm4b:s10+s2], $0x28, $0x38;
	[tilespmem:$0x1A800] =	vst v63  }
0x14: {  	s16 =	smul.u32 $0x280, s14;
	s18 =	sshrl.u32 s17, $0x1;
	_ =	swait.ge [sflag:s3], $0x28  }
0x15: {  	s14 =	simm.s32 $0x19400;
	s31 =	ssub.s32 s17, s18;
	[sflag:s3] =	ssyncset.done $0x0  }
0x16: {  	s15 =	sadd.s32 s16, s15;
	s16 =	smax.u32 s31, $0x1;
	[sflag:s3] =	ssyncadd.s32 $0xFFFFFFD8  }
0x17: {  	[tilespmem:s14], [sflag:$0x1] =	stream.indirect.gather [hbm4b:s12+s13], $0x80, s11, s13, $0xb8;
	[tilespmem:$0x1A800] =	vst v63  }
0x18: {  	p0 =	sne.s32 s16, $0x1;
	_ =	swait.ge [sflag:s8], $0x1400  }
.Ltmp0:
0x19: {  	[sflag:s8] =	ssyncset.done $0x0;
	(pc) =	sbr.rel @!p0 .LBB2_2-.Ltmp0, $4  }
0x1a: {  	s15 =	sadd.s32 $0x64C00, s15;
	[sflag:s8] =	ssyncadd.s32 $0xFFFFEC00  }
0x1b: {  	[hbm4b:s15+s2] =	stream.linear.scatter [tilespmem:s14], [sflag:$0x2], $0x1400, $0x38;
	[tilespmem:$0x1A800] =	vst v63  }
0x1c: {  	_ =	swait.ge [sflag:s3], $0x1400  }
0x1d: {  	s16 =	sadd.s32 $0xFFFFFFFF, s16;
	[sflag:s3] =	ssyncset.done $0x0  }
.LBB2_1:
0x1e: {  	p0 =	sne.s32 s16, $0x1;
	s16 =	sadd.s32 $0xFFFFFFFF, s16;
	[sflag:s3] =	ssyncadd.s32 $0xFFFFEC00  }
0x1f: {  	[tilespmem:s2], [sflag:$0x2] =	stream.linear.gather [hbm4b:s4+s2], $0x320, $0x38;
	[tilespmem:$0x1A800] =	vst v63  }
0x20: {  	_ =	swait.ge [sflag:s3], $0x320  }
0x21: {  	[sflag:s3] =	ssyncset.done $0x0  }
0x22: {  	[sflag:s3] =	ssyncadd.s32 $0xFFFFFCE0  }
0x23: {  	[tilespmem:s7], [sflag:$0x1] =	stream.indirect.gather [hbm4b:s5+s6], $0x80, s2, s6, $0xb8;
	[tilespmem:$0x1A800] =	vst v63  }
0x24: {  	_ =	swait.ge [sflag:s8], $0x19000  }
0x25: {  	[sflag:s8] =	ssyncset.done $0x0  }
0x26: {  	[sflag:s8] =	ssyncadd.s32 $0xFFFE7000  }
0x27: {  	[hbm4b:s9+s2] =	stream.linear.scatter [tilespmem:s7], [sflag:$0x2], $0x19000, $0x38;
	[tilespmem:$0x1A800] =	vst v63  }
0x28: {  	_ =	swait.ge [sflag:s3], $0x19000  }
0x29: {  	[sflag:s3] =	ssyncset.done $0x0  }
0x2a: {  	[sflag:s3] =	ssyncadd.s32 $0xFFFE7000  }
0x2b: {  	[tilespmem:s11], [sflag:$0x2] =	stream.linear.gather [hbm4b:s10+s2], $0x28, $0x38;
	[tilespmem:$0x1A800] =	vst v63  }
0x2c: {  	_ =	swait.ge [sflag:s3], $0x28  }
0x2d: {  	[sflag:s3] =	ssyncset.done $0x0  }
0x2e: {  	[sflag:s3] =	ssyncadd.s32 $0xFFFFFFD8  }
0x2f: {  	[tilespmem:s14], [sflag:$0x1] =	stream.indirect.gather [hbm4b:s12+s13], $0x80, s11, s13, $0xb8;
	[tilespmem:$0x1A800] =	vst v63  }
0x30: {  	_ =	swait.ge [sflag:s8], $0x1400  }
.Ltmp1:
0x31: {  	[sflag:s8] =	ssyncset.done $0x0;
	(pc) =	sbr.rel @p0 .LBB2_1-.Ltmp1, $4  }
0x32: {  	[sflag:s8] =	ssyncadd.s32 $0xFFFFEC00  }
0x33: {  	[hbm4b:s15+s2] =	stream.linear.scatter [tilespmem:s14], [sflag:$0x2], $0x1400, $0x38;
	[tilespmem:$0x1A800] =	vst v63  }
0x34: {  	_ =	swait.ge [sflag:s3], $0x1400  }
0x35: {  	[sflag:s3] =	ssyncset.done $0x0  }
.LBB2_2:
0x36: {  	[sflag:s3] =	ssyncadd.s32 $0xFFFFEC00  }
0x37: {  	_ =	sfence.sel $0x180000  }
0x38: {  	[bflag:$0x0] =	sbarrier.arrive $0xFFFF  }
0x39: {  	p0 =	sne.s32 s0, $0x0;
	_ =	strace $0x90000047  }
0x3a: {  	s0 =	sadd.s32 @!p0 $0x100000, s1;
	[bflag:$0x2] =	sbarrier.arrive $0xFFFF  }
0x3b: {  	[sflag:s0] =	ssyncadd.tile.s32 @!p0 $0x1;
	_ =	shalt  }
.Lfunc_end2:
_tile_overlayer_lowered:
.L_overlay_start_2:
0x3c: {  	(tag) =	ssettag $0x2  }
0x3d: {  	s0 =	rddreg [dreg:$0x0];
	s2 =	stileid.u32  }
0x3e: {  	s1 =	rddreg [dreg:$0x1];
	p0 =	sne.s32 s2, $0x0  }
0x3f: {  	s3 =	rddreg [dreg:$0x2];
	[bflag:$0x3] =	sbarrier.arrive $0xFFFF;
	s2 =	simm.s32 @!p0 $0x1C02  }
0x40: {  	[timem:s3], [sflag:s2] =	dma.local @!p0 [hbm:s0], s1  }
0x41: {  	s0 =	simm.s32 @!p0 $0x2  }
0x42: {  	_ =	swait.ge @!p0 [sflag:s0], s1  }
0x43: {  	s1 =	ssub.s32 @!p0 $0x0, s1;
	[sflag:s0] =	ssyncset.done @!p0 $0x0  }
0x44: {  	[sflag:s0] =	ssyncadd.s32 @!p0 s1  }
0x45: {  	[bflag:$0x3] =	sbarrier.arrive $0xFFFF  }
0x46: {  	_ =	shalt  }

</sc_bundles>
